<compile_context>
chip_gen: v7x
topology: tpu7x:2x2x1
jax: 0.10.2.dev20260603
libtpu: 0.0.44.dev20260713+nightly
codegen_flags: <defaults>
</compile_context>

<pallas_src>
import functools

import jax
import jax.numpy as jnp
from jax import lax
from jax.experimental import pallas as pl
from jax.experimental.pallas import tpu as pltpu
from jax.experimental.pallas import tpu_sc as plsc

_NE = 256
_TT = 4
_PAD = _NE * _TT
_D = 64
_NC, _NS = 2, 16
_NW = _NC * _NS
_C = 512
_SUB = 128


def _ids_seq_body(sem_ref, tt_ref, mask_ref, out_ref):
    sem = sem_ref[...]
    tt = jnp.clip(tt_ref[...], 0, _TT - 1)
    ids = tt * _NE + sem
    invalid = ((ids > _PAD - 1) | (ids < 0)) & (sem != -1)
    ids = jnp.where(invalid, _PAD, ids)
    out_ref[...] = jnp.where(mask_ref[...], ids, _PAD)


def _ids_fut_body(sem_ref, tt_ref, out_ref):
    sem = sem_ref[...]
    tt = jnp.clip(tt_ref[...], 0, _TT - 1)
    ids = tt * _NE + sem
    invalid = ((ids > _PAD - 1) | (ids < 0)) & (sem != -1)
    out_ref[...] = jnp.where(invalid, _PAD, ids)


def _sc_embed(ids_seq, ids_fut, table):
    N1, N2 = ids_seq.shape[0], ids_fut.shape[0]
    n1, n2 = N1 // _NW, N2 // _NW
    G1, G2 = n1 // _C, n2 // _C

    mesh = plsc.VectorSubcoreMesh(core_axis_name="c", subcore_axis_name="s")

    @functools.partial(
        pl.kernel,
        mesh=mesh,
        compiler_params=pltpu.CompilerParams(use_tc_tiling_on_sc=False),
        out_type=(
            jax.ShapeDtypeStruct((N1, _D), jnp.float32),
            jax.ShapeDtypeStruct((N2, _D), jnp.float32),
        ),
        scratch_types=[
            pltpu.VMEM((_C,), jnp.int32),
            pltpu.VMEM((_C,), jnp.int32),
            pltpu.VMEM((_C, _D), jnp.float32),
            pltpu.VMEM((_C, _D), jnp.float32),
            pltpu.SemaphoreType.DMA,
            pltpu.SemaphoreType.DMA,
            pltpu.SemaphoreType.DMA,
            pltpu.SemaphoreType.DMA,
            pltpu.SemaphoreType.DMA,
            pltpu.SemaphoreType.DMA,
        ],
    )
    def k(ids1_hbm, ids2_hbm, tab_hbm, out1_hbm, out2_hbm,
          idx0_v, idx1_v, rows0_v, rows1_v,
          isem0, isem1, gsem0, gsem1, osem0, osem1):
        wid = lax.axis_index("s") * _NC + lax.axis_index("c")
        idx_v = (idx0_v, idx1_v)
        rows_v = (rows0_v, rows1_v)
        isem = (isem0, isem1)
        gsem = (gsem0, gsem1)
        osem = (osem0, osem1)

        def tok_of(ids_hbm_pair, g):
            is_seq = g < G1
            tok = jnp.where(is_seq, wid * n1 + g * _C,
                            wid * n2 + (g - G1) * _C)
            return is_seq, tok

        def start_idx(g, b):
            is_seq, tok = tok_of(None, g)
            def frm_seq(_):
                pltpu.async_copy(ids1_hbm.at[pl.ds(tok, _C)], idx_v[b],
                                 isem[b])
                return 0
            def frm_fut(_):
                pltpu.async_copy(ids2_hbm.at[pl.ds(tok, _C)], idx_v[b],
                                 isem[b])
                return 0
            lax.cond(is_seq, frm_seq, frm_fut, 0)

        def wait_idx(b):
            pltpu.make_async_copy(ids1_hbm.at[pl.ds(0, _C)], idx_v[b],
                                  isem[b]).wait()

        def start_gathers(b):
            for j in range(0, _C, _SUB):
                pltpu.async_copy(
                    tab_hbm.at[idx_v[b].at[pl.ds(j, _SUB)]],
                    rows_v[b].at[pl.ds(j, _SUB)], gsem[b])

        def wait_gathers(b):
            for j in range(0, _C, _SUB):
                pltpu.make_async_copy(
                    tab_hbm.at[idx_v[b].at[pl.ds(j, _SUB)]],
                    rows_v[b].at[pl.ds(j, _SUB)], gsem[b]).wait()

        def start_out(g, b):
            is_seq, tok = tok_of(None, g)
            def to_seq(_):
                pltpu.async_copy(rows_v[b], out1_hbm.at[pl.ds(tok, _C)],
                                 osem[b])
                return 0
            def to_fut(_):
                pltpu.async_copy(rows_v[b], out2_hbm.at[pl.ds(tok, _C)],
                                 osem[b])
                return 0
            lax.cond(is_seq, to_seq, to_fut, 0)

        def wait_out(b):
            pltpu.make_async_copy(rows_v[b], out1_hbm.at[pl.ds(0, _C)],
                                  osem[b]).wait()

        G = G1 + G2

        start_idx(0, 0)
        start_idx(1, 1)
        wait_idx(0)
        start_gathers(0)
        wait_idx(1)

        def steady(g, carry):
            b = lax.rem(g, 2)

            def even(_):
                _pipe_step(g, 0)
                return 0

            def odd(_):
                _pipe_step(g, 1)
                return 0

            def _pipe_step(g, b):
                wait_gathers(b)
                start_out(g, b)
                nb = 1 - b
                lax.cond(g + 2 < G, lambda _: (start_idx(g + 2, b), 0)[1],
                         lambda _: 0, 0)
                lax.cond(g >= 1, lambda _: (wait_out(nb), 0)[1],
                         lambda _: 0, 0)
                start_gathers(nb)
                return 0

            lax.cond(b == 0, even, odd, 0)
            return carry

        def steady_body(g, carry):
            b = g % 2
            return steady(g, carry)

        lax.fori_loop(0, G - 1, steady_body, 0)

        bl = (G - 1) % 2
        wait_gathers(bl)
        start_out(G - 1, bl)
        wait_out(1 - bl)
        wait_out(bl)

    return k(ids_seq, ids_fut, table)


def kernel(sem_ids, token_type_ids, seq_mask, sem_ids_fut, token_type_ids_fut,
           emb_table):
    B, L = sem_ids.shape
    FUT = sem_ids_fut.shape[1]
    N1, N2 = B * L, B * FUT
    r1, r2 = N1 // 128, N2 // 128

    nblk = 8
    ids1 = pl.pallas_call(
        _ids_seq_body,
        grid=(nblk,),
        in_specs=[pl.BlockSpec((r1 // nblk, 128), lambda i: (i, 0))] * 3,
        out_specs=pl.BlockSpec((r1 // nblk, 128), lambda i: (i, 0)),
        out_shape=jax.ShapeDtypeStruct((r1, 128), jnp.int32),
    )(sem_ids.reshape(r1, 128), token_type_ids.reshape(r1, 128),
      seq_mask.reshape(r1, 128))

    ids2 = pl.pallas_call(
        _ids_fut_body,
        grid=(1,),
        in_specs=[pl.BlockSpec((r2, 128), lambda i: (0, 0))] * 2,
        out_specs=pl.BlockSpec((r2, 128), lambda i: (0, 0)),
        out_shape=jax.ShapeDtypeStruct((r2, 128), jnp.int32),
    )(sem_ids_fut.reshape(r2, 128), token_type_ids_fut.reshape(r2, 128))

    seq_flat, fut_flat = _sc_embed(ids1.reshape(N1), ids2.reshape(N2),
                                   emb_table)
    return seq_flat.reshape(B, L, _D), fut_flat.reshape(B, FUT, _D)

# --- scband reference (transcript-rebuilt; emitter-appended) ---
"""Pipeline reference for scband-sem-id-embedder-41497974014472 (READ-ONLY COPY).

The authoritative reference and input builder live on the scoring server;
editing this copy changes nothing except your own understanding.
"""

import jax, jax.numpy as jnp
import numpy as np

NUM_EMBEDDINGS = 256
SEM_IDS_DIM = 4
EMB_DIM = 64
PADDING_IDX = NUM_EMBEDDINGS * SEM_IDS_DIM  # 1024
TABLE_ROWS = NUM_EMBEDDINGS * SEM_IDS_DIM + 1  # 1025
B, L = 16384, 200
FUT_L = 4


def setup_inputs(seed: int = 0) -> dict:
    key = jax.random.key(seed)
    k1, k2, k3, k4, k5, k6 = jax.random.split(key, 6)
    sem_ids = jax.random.randint(k1, (B, L), 0, NUM_EMBEDDINGS, dtype=jnp.int32)
    token_type_ids = jax.random.randint(k2, (B, L), 0, SEM_IDS_DIM, dtype=jnp.int32)
    seq_mask = jax.random.randint(k3, (B, L), 0, 2, dtype=jnp.int32).astype(jnp.bool_)
    sem_ids_fut = jax.random.randint(k4, (B, FUT_L), 0, NUM_EMBEDDINGS, dtype=jnp.int32)
    token_type_ids_fut = jax.random.randint(k5, (B, FUT_L), 0, SEM_IDS_DIM, dtype=jnp.int32)
    emb_table = jax.random.normal(k6, (TABLE_ROWS, EMB_DIM), dtype=jnp.float32)
    emb_table = emb_table.at[PADDING_IDX].set(0.0)  # nn.Embedding zero-inits padding row
    return {
        "sem_ids": sem_ids,
        "token_type_ids": token_type_ids,
        "seq_mask": seq_mask,
        "sem_ids_fut": sem_ids_fut,
        "token_type_ids_fut": token_type_ids_fut,
        "emb_table": emb_table,
    }


def _compute_ids(sem_ids, token_type_ids):
    max_valid_idx = NUM_EMBEDDINGS * SEM_IDS_DIM - 1
    tt = jnp.clip(token_type_ids, 0, SEM_IDS_DIM - 1)
    ids = tt * NUM_EMBEDDINGS + sem_ids
    invalid = ((ids > max_valid_idx) | (ids < 0)) & (sem_ids != -1)
    ids = jnp.where(invalid, PADDING_IDX, ids)
    return ids


def reference(sem_ids, token_type_ids, seq_mask, sem_ids_fut, token_type_ids_fut, emb_table):
    # main sequence ids
    ids = _compute_ids(sem_ids, token_type_ids)
    ids = jnp.where(seq_mask, ids, PADDING_IDX)  # sem_ids[~seq_mask] = padding_idx
    # future ids
    ids_fut = _compute_ids(sem_ids_fut, token_type_ids_fut)
    # embedding lookups (gather)
    seq_emb = jnp.take(emb_table, ids, axis=0)
    fut_emb = jnp.take(emb_table, ids_fut, axis=0)
    return seq_emb, fut_emb

if __name__ == "__main__":
    import jax
    _d = setup_inputs()
    print(jax.jit(kernel)(*tuple(_d.values())))

</pallas_src>

<mosaic_0001>
#map = affine_map<(d0, d1) -> (0)>
#map1 = affine_map<(d0, d1) -> (0, 0)>
module attributes {stable_mosaic.version = 14 : i64} {
  func.func @k(%arg0: i32, %arg1: i32, %arg2: memref<3276800xi32, #tpu.memory_space<hbm>>, %arg3: memref<65536xi32, #tpu.memory_space<hbm>>, %arg4: memref<1025x64xf32, #tpu.memory_space<hbm>>, %arg5: memref<3276800x64xf32, #tpu.memory_space<hbm>>, %arg6: memref<65536x64xf32, #tpu.memory_space<hbm>>, %arg7: memref<512xi32, #tpu.memory_space<vmem>>, %arg8: memref<512xi32, #tpu.memory_space<vmem>>, %arg9: memref<512x64xf32, #tpu.memory_space<vmem>>, %arg10: memref<512x64xf32, #tpu.memory_space<vmem>>, %arg11: memref<!tpu.dma_semaphore, #tpu.memory_space<semaphore_mem>>, %arg12: memref<!tpu.dma_semaphore, #tpu.memory_space<semaphore_mem>>, %arg13: memref<!tpu.dma_semaphore, #tpu.memory_space<semaphore_mem>>, %arg14: memref<!tpu.dma_semaphore, #tpu.memory_space<semaphore_mem>>, %arg15: memref<!tpu.dma_semaphore, #tpu.memory_space<semaphore_mem>>, %arg16: memref<!tpu.dma_semaphore, #tpu.memory_space<semaphore_mem>>) attributes {dimension_semantics = [#tpu.dimension_semantics<core_parallel>, #tpu.dimension_semantics<subcore_parallel>], iteration_bounds = array<i64: 2, 16>, scalar_prefetch = 0 : i64, scratch_operands = 10 : i64, tpu.core_type = #tpu.core_type<sc_vector_subcore>, window_params = [{transform_indices = #map}, {transform_indices = #map}, {transform_indices = #map1}, {transform_indices = #map1}, {transform_indices = #map1}]} {
    %mul3A = arith.constant 2 : i32
    %mul3A_0 = arith.muli %arg1, %mul3A : i32
    %add3A = arith.addi %mul3A_0, %arg0 : i32
    %mul3A_1 = arith.constant 102400 : i32
    %mul3A_2 = arith.muli %add3A, %mul3A_1 : i32
    %add3A_3 = arith.constant 0 : i32
    %add3A_4 = arith.addi %mul3A_2, %add3A_3 : i32
    %mul3A_5 = arith.constant 2048 : i32
    %mul3A_6 = arith.muli %add3A, %mul3A_5 : i32
    %add3A_7 = arith.constant -102400 : i32
    %add3A_8 = arith.addi %mul3A_6, %add3A_7 : i32
    %jit3A = arith.constant true
    %select_n3A = arith.select %jit3A, %add3A_4, %add3A_8 : i32
    %cond3A = arith.constant 1 : i32
    %cond3A_9 = arith.constant 0 : i32
    %dma_start3A = tpu.memref_slice %arg2[%select_n3A] : memref<3276800xi32, #tpu.memory_space<hbm>> -> memref<512xi32, #tpu.memory_space<hbm>>
    %dma_start3A_10 = tpu.memref_slice %arg2[%select_n3A] : memref<3276800xi32, #tpu.memory_space<hbm>> -> memref<512xi32, #tpu.memory_space<hbm>>
    tpu.enqueue_dma source(%dma_start3A_10 : memref<512xi32, #tpu.memory_space<hbm>>) target(%arg7 : memref<512xi32, #tpu.memory_space<vmem>>) target_semaphore(%arg11 : memref<!tpu.dma_semaphore, #tpu.memory_space<semaphore_mem>>)
    %cond3A_11 = arith.constant 0 : i32
    %mul3A_12 = arith.constant 102400 : i32
    %mul3A_13 = arith.muli %add3A, %mul3A_12 : i32
    %add3A_14 = arith.constant 512 : i32
    %add3A_15 = arith.addi %mul3A_13, %add3A_14 : i32
    %mul3A_16 = arith.constant 2048 : i32
    %mul3A_17 = arith.muli %add3A, %mul3A_16 : i32
    %add3A_18 = arith.constant -101888 : i32
    %add3A_19 = arith.addi %mul3A_17, %add3A_18 : i32
    %jit3A_20 = arith.constant true
    %select_n3A_21 = arith.select %jit3A_20, %add3A_15, %add3A_19 : i32
    %cond3A_22 = arith.constant 1 : i32
    %cond3A_23 = arith.constant 0 : i32
    %dma_start3A_24 = tpu.memref_slice %arg2[%select_n3A_21] : memref<3276800xi32, #tpu.memory_space<hbm>> -> memref<512xi32, #tpu.memory_space<hbm>>
    %dma_start3A_25 = tpu.memref_slice %arg2[%select_n3A_21] : memref<3276800xi32, #tpu.memory_space<hbm>> -> memref<512xi32, #tpu.memory_space<hbm>>
    tpu.enqueue_dma source(%dma_start3A_25 : memref<512xi32, #tpu.memory_space<hbm>>) target(%arg8 : memref<512xi32, #tpu.memory_space<vmem>>) target_semaphore(%arg12 : memref<!tpu.dma_semaphore, #tpu.memory_space<semaphore_mem>>)
    %cond3A_26 = arith.constant 0 : i32
    %dma_wait3A = arith.constant 0 : i32
    %dma_wait3A_27 = tpu.memref_slice %arg2[%dma_wait3A] : memref<3276800xi32, #tpu.memory_space<hbm>> -> memref<512xi32, #tpu.memory_space<hbm>>
    %dma_wait3A_28 = arith.constant 0 : i32
    %dma_wait3A_29 = tpu.memref_slice %arg2[%dma_wait3A_28] : memref<3276800xi32, #tpu.memory_space<hbm>> -> memref<512xi32, #tpu.memory_space<hbm>>
    tpu.wait_dma2 semaphore(%arg11 : memref<!tpu.dma_semaphore, #tpu.memory_space<semaphore_mem>>) src(%dma_wait3A_29 : memref<512xi32, #tpu.memory_space<hbm>>) dst(%arg7 : memref<512xi32, #tpu.memory_space<vmem>>)
    %dma_start3A_30 = arith.constant 0 : i32
    %dma_start3A_31 = arith.constant 0 : i32
    %dma_start3A_32 = tpu.memref_slice %arg9[%dma_start3A_30, %dma_start3A_31] : memref<512x64xf32, #tpu.memory_space<vmem>> -> memref<128x64xf32, #tpu.memory_space<vmem>>
    %dma_start3A_33 = arith.constant 0 : i32
    %dma_start3A_34 = tpu.memref_slice %arg7[%dma_start3A_33] : memref<512xi32, #tpu.memory_space<vmem>> -> memref<128xi32, #tpu.memory_space<vmem>>
    %dma_start3A_35 = arith.constant 0 : i32
    %dma_start3A_36 = arith.constant 0 : i32
    %dma_start3A_37 = tpu.memref_slice %arg4[%dma_start3A_35, %dma_start3A_36] : memref<1025x64xf32, #tpu.memory_space<hbm>> -> memref<1025x64xf32, #tpu.memory_space<hbm>>
    tpu.enqueue_indirect_dma source(%dma_start3A_37 : memref<1025x64xf32, #tpu.memory_space<hbm>>) target(%dma_start3A_32 : memref<128x64xf32, #tpu.memory_space<vmem>>) offsets(%dma_start3A_34 : memref<128xi32, #tpu.memory_space<vmem>>) semaphore(%arg13 : memref<!tpu.dma_semaphore, #tpu.memory_space<semaphore_mem>>)
    %dma_start3A_38 = arith.constant 128 : i32
    %dma_start3A_39 = arith.constant 0 : i32
    %dma_start3A_40 = tpu.memref_slice %arg9[%dma_start3A_38, %dma_start3A_39] : memref<512x64xf32, #tpu.memory_space<vmem>> -> memref<128x64xf32, #tpu.memory_space<vmem>>
    %dma_start3A_41 = arith.constant 128 : i32
    %dma_start3A_42 = tpu.memref_slice %arg7[%dma_start3A_41] : memref<512xi32, #tpu.memory_space<vmem>> -> memref<128xi32, #tpu.memory_space<vmem>>
    %dma_start3A_43 = arith.constant 0 : i32
    %dma_start3A_44 = arith.constant 0 : i32
    %dma_start3A_45 = tpu.memref_slice %arg4[%dma_start3A_43, %dma_start3A_44] : memref<1025x64xf32, #tpu.memory_space<hbm>> -> memref<1025x64xf32, #tpu.memory_space<hbm>>
    tpu.enqueue_indirect_dma source(%dma_start3A_45 : memref<1025x64xf32, #tpu.memory_space<hbm>>) target(%dma_start3A_40 : memref<128x64xf32, #tpu.memory_space<vmem>>) offsets(%dma_start3A_42 : memref<128xi32, #tpu.memory_space<vmem>>) semaphore(%arg13 : memref<!tpu.dma_semaphore, #tpu.memory_space<semaphore_mem>>)
    %dma_start3A_46 = arith.constant 256 : i32
    %dma_start3A_47 = arith.constant 0 : i32
    %dma_start3A_48 = tpu.memref_slice %arg9[%dma_start3A_46, %dma_start3A_47] : memref<512x64xf32, #tpu.memory_space<vmem>> -> memref<128x64xf32, #tpu.memory_space<vmem>>
    %dma_start3A_49 = arith.constant 256 : i32
    %dma_start3A_50 = tpu.memref_slice %arg7[%dma_start3A_49] : memref<512xi32, #tpu.memory_space<vmem>> -> memref<128xi32, #tpu.memory_space<vmem>>
    %dma_start3A_51 = arith.constant 0 : i32
    %dma_start3A_52 = arith.constant 0 : i32
    %dma_start3A_53 = tpu.memref_slice %arg4[%dma_start3A_51, %dma_start3A_52] : memref<1025x64xf32, #tpu.memory_space<hbm>> -> memref<1025x64xf32, #tpu.memory_space<hbm>>
    tpu.enqueue_indirect_dma source(%dma_start3A_53 : memref<1025x64xf32, #tpu.memory_space<hbm>>) target(%dma_start3A_48 : memref<128x64xf32, #tpu.memory_space<vmem>>) offsets(%dma_start3A_50 : memref<128xi32, #tpu.memory_space<vmem>>) semaphore(%arg13 : memref<!tpu.dma_semaphore, #tpu.memory_space<semaphore_mem>>)
    %dma_start3A_54 = arith.constant 384 : i32
    %dma_start3A_55 = arith.constant 0 : i32
    %dma_start3A_56 = tpu.memref_slice %arg9[%dma_start3A_54, %dma_start3A_55] : memref<512x64xf32, #tpu.memory_space<vmem>> -> memref<128x64xf32, #tpu.memory_space<vmem>>
    %dma_start3A_57 = arith.constant 384 : i32
    %dma_start3A_58 = tpu.memref_slice %arg7[%dma_start3A_57] : memref<512xi32, #tpu.memory_space<vmem>> -> memref<128xi32, #tpu.memory_space<vmem>>
    %dma_start3A_59 = arith.constant 0 : i32
    %dma_start3A_60 = arith.constant 0 : i32
    %dma_start3A_61 = tpu.memref_slice %arg4[%dma_start3A_59, %dma_start3A_60] : memref<1025x64xf32, #tpu.memory_space<hbm>> -> memref<1025x64xf32, #tpu.memory_space<hbm>>
    tpu.enqueue_indirect_dma source(%dma_start3A_61 : memref<1025x64xf32, #tpu.memory_space<hbm>>) target(%dma_start3A_56 : memref<128x64xf32, #tpu.memory_space<vmem>>) offsets(%dma_start3A_58 : memref<128xi32, #tpu.memory_space<vmem>>) semaphore(%arg13 : memref<!tpu.dma_semaphore, #tpu.memory_space<semaphore_mem>>)
    %dma_wait3A_62 = arith.constant 0 : i32
    %dma_wait3A_63 = tpu.memref_slice %arg2[%dma_wait3A_62] : memref<3276800xi32, #tpu.memory_space<hbm>> -> memref<512xi32, #tpu.memory_space<hbm>>
    %dma_wait3A_64 = arith.constant 0 : i32
    %dma_wait3A_65 = tpu.memref_slice %arg2[%dma_wait3A_64] : memref<3276800xi32, #tpu.memory_space<hbm>> -> memref<512xi32, #tpu.memory_space<hbm>>
    tpu.wait_dma2 semaphore(%arg12 : memref<!tpu.dma_semaphore, #tpu.memory_space<semaphore_mem>>) src(%dma_wait3A_65 : memref<512xi32, #tpu.memory_space<hbm>>) dst(%arg8 : memref<512xi32, #tpu.memory_space<vmem>>)
    %scan3A = arith.constant 0 : i32
    %scan3A_66 = arith.constant 0 : i32
    %scan3A_67 = arith.constant 203 : i32
    %scan3A_68 = arith.addi %scan3A_66, %scan3A_67 : i32
    %scan3A_69 = arith.constant 1 : i32
    scf.for %scan3A_132 = %scan3A_66 to %scan3A_68 step %scan3A_69  : i32 {
      %jit3A_133 = arith.constant 2 : i32
      %eq3A = arith.constant 0 : i32
      %eq3A_134 = arith.cmpi eq, %jit3A_133, %eq3A : i32
      %jit3A_135 = arith.constant 1 : i32
      %select_n3A_136 = arith.select %eq3A_134, %jit3A_135, %jit3A_133 : i32
      %rem3A = arith.remsi %scan3A_132, %select_n3A_136 : i32
      %ne3A = arith.constant 0 : i32
      %ne3A_137 = arith.cmpi ne, %rem3A, %ne3A : i32
      %lt3A = arith.constant 0 : i32
      %lt3A_138 = arith.cmpi slt, %rem3A, %lt3A : i32
      %lt3A_139 = arith.constant 0 : i32
      %lt3A_140 = arith.cmpi slt, %select_n3A_136, %lt3A_139 : i32
      %ne3A_141 = arith.xori %lt3A_138, %lt3A_140 : i1
      %and3A = arith.andi %ne3A_141, %ne3A_137 : i1
      %add3A_142 = arith.addi %rem3A, %select_n3A_136 : i32
      %select_n3A_143 = arith.select %and3A, %add3A_142, %rem3A : i32
      %rem3A_144 = arith.constant 2 : i32
      %rem3A_145 = arith.remsi %scan3A_132, %rem3A_144 : i32
      %eq3A_146 = arith.constant 0 : i32
      %eq3A_147 = arith.cmpi eq, %rem3A_145, %eq3A_146 : i32
      %convert_element_type3A = arith.extui %eq3A_147 : i1 to i32
      %cond3A_148 = arith.constant 0 : i32
      %cond3A_149 = arith.constant 0 : i32
      %cond3A_150 = arith.cmpi ne, %convert_element_type3A, %cond3A_149 : i32
      %cond3A_151 = scf.if %cond3A_150 -> (i32) {
        %dma_wait3A_152 = arith.constant 0 : i32
        %dma_wait3A_153 = arith.constant 0 : i32
        %dma_wait3A_154 = tpu.memref_slice %arg9[%dma_wait3A_152, %dma_wait3A_153] : memref<512x64xf32, #tpu.memory_space<vmem>> -> memref<128x64xf32, #tpu.memory_space<vmem>>
        %dma_wait3A_155 = arith.constant 0 : i32
        %dma_wait3A_156 = tpu.memref_slice %arg7[%dma_wait3A_155] : memref<512xi32, #tpu.memory_space<vmem>> -> memref<128xi32, #tpu.memory_space<vmem>>
        %dma_wait3A_157 = arith.constant 0 : i32
        %dma_wait3A_158 = arith.constant 0 : i32
        %dma_wait3A_159 = tpu.memref_slice %arg4[%dma_wait3A_157, %dma_wait3A_158] : memref<1025x64xf32, #tpu.memory_space<hbm>> -> memref<1025x64xf32, #tpu.memory_space<hbm>>
        tpu.wait_indirect_dma semaphore(%arg13 : memref<!tpu.dma_semaphore, #tpu.memory_space<semaphore_mem>>) src(%dma_wait3A_159 : memref<1025x64xf32, #tpu.memory_space<hbm>>) dst(%dma_wait3A_154 : memref<128x64xf32, #tpu.memory_space<vmem>>)
        %dma_wait3A_160 = arith.constant 128 : i32
        %dma_wait3A_161 = arith.constant 0 : i32
        %dma_wait3A_162 = tpu.memref_slice %arg9[%dma_wait3A_160, %dma_wait3A_161] : memref<512x64xf32, #tpu.memory_space<vmem>> -> memref<128x64xf32, #tpu.memory_space<vmem>>
        %dma_wait3A_163 = arith.constant 128 : i32
        %dma_wait3A_164 = tpu.memref_slice %arg7[%dma_wait3A_163] : memref<512xi32, #tpu.memory_space<vmem>> -> memref<128xi32, #tpu.memory_space<vmem>>
        %dma_wait3A_165 = arith.constant 0 : i32
        %dma_wait3A_166 = arith.constant 0 : i32
        %dma_wait3A_167 = tpu.memref_slice %arg4[%dma_wait3A_165, %dma_wait3A_166] : memref<1025x64xf32, #tpu.memory_space<hbm>> -> memref<1025x64xf32, #tpu.memory_space<hbm>>
        tpu.wait_indirect_dma semaphore(%arg13 : memref<!tpu.dma_semaphore, #tpu.memory_space<semaphore_mem>>) src(%dma_wait3A_167 : memref<1025x64xf32, #tpu.memory_space<hbm>>) dst(%dma_wait3A_162 : memref<128x64xf32, #tpu.memory_space<vmem>>)
        %dma_wait3A_168 = arith.constant 256 : i32
        %dma_wait3A_169 = arith.constant 0 : i32
        %dma_wait3A_170 = tpu.memref_slice %arg9[%dma_wait3A_168, %dma_wait3A_169] : memref<512x64xf32, #tpu.memory_space<vmem>> -> memref<128x64xf32, #tpu.memory_space<vmem>>
        %dma_wait3A_171 = arith.constant 256 : i32
        %dma_wait3A_172 = tpu.memref_slice %arg7[%dma_wait3A_171] : memref<512xi32, #tpu.memory_space<vmem>> -> memref<128xi32, #tpu.memory_space<vmem>>
        %dma_wait3A_173 = arith.constant 0 : i32
        %dma_wait3A_174 = arith.constant 0 : i32
        %dma_wait3A_175 = tpu.memref_slice %arg4[%dma_wait3A_173, %dma_wait3A_174] : memref<1025x64xf32, #tpu.memory_space<hbm>> -> memref<1025x64xf32, #tpu.memory_space<hbm>>
        tpu.wait_indirect_dma semaphore(%arg13 : memref<!tpu.dma_semaphore, #tpu.memory_space<semaphore_mem>>) src(%dma_wait3A_175 : memref<1025x64xf32, #tpu.memory_space<hbm>>) dst(%dma_wait3A_170 : memref<128x64xf32, #tpu.memory_space<vmem>>)
        %dma_wait3A_176 = arith.constant 384 : i32
        %dma_wait3A_177 = arith.constant 0 : i32
        %dma_wait3A_178 = tpu.memref_slice %arg9[%dma_wait3A_176, %dma_wait3A_177] : memref<512x64xf32, #tpu.memory_space<vmem>> -> memref<128x64xf32, #tpu.memory_space<vmem>>
        %dma_wait3A_179 = arith.constant 384 : i32
        %dma_wait3A_180 = tpu.memref_slice %arg7[%dma_wait3A_179] : memref<512xi32, #tpu.memory_space<vmem>> -> memref<128xi32, #tpu.memory_space<vmem>>
        %dma_wait3A_181 = arith.constant 0 : i32
        %dma_wait3A_182 = arith.constant 0 : i32
        %dma_wait3A_183 = tpu.memref_slice %arg4[%dma_wait3A_181, %dma_wait3A_182] : memref<1025x64xf32, #tpu.memory_space<hbm>> -> memref<1025x64xf32, #tpu.memory_space<hbm>>
        tpu.wait_indirect_dma semaphore(%arg13 : memref<!tpu.dma_semaphore, #tpu.memory_space<semaphore_mem>>) src(%dma_wait3A_183 : memref<1025x64xf32, #tpu.memory_space<hbm>>) dst(%dma_wait3A_178 : memref<128x64xf32, #tpu.memory_space<vmem>>)
        %lt3A_184 = arith.constant 200 : i32
        %lt3A_185 = arith.cmpi slt, %scan3A_132, %lt3A_184 : i32
        %mul3A_186 = arith.constant 102400 : i32
        %mul3A_187 = arith.muli %add3A, %mul3A_186 : i32
        %mul3A_188 = arith.constant 512 : i32
        %mul3A_189 = arith.muli %scan3A_132, %mul3A_188 : i32
        %add3A_190 = arith.addi %mul3A_187, %mul3A_189 : i32
        %mul3A_191 = arith.constant 2048 : i32
        %mul3A_192 = arith.muli %add3A, %mul3A_191 : i32
        %sub3A = arith.constant 200 : i32
        %sub3A_193 = arith.subi %scan3A_132, %sub3A : i32
        %mul3A_194 = arith.constant 512 : i32
        %mul3A_195 = arith.muli %sub3A_193, %mul3A_194 : i32
        %add3A_196 = arith.addi %mul3A_192, %mul3A_195 : i32
        %select_n3A_197 = arith.select %lt3A_185, %add3A_190, %add3A_196 : i32
        %convert_element_type3A_198 = arith.extui %lt3A_185 : i1 to i32
        %cond3A_199 = arith.constant 0 : i32
        %cond3A_200 = arith.constant 0 : i32
        %cond3A_201 = arith.cmpi ne, %convert_element_type3A_198, %cond3A_200 : i32
        %cond3A_202 = scf.if %cond3A_201 -> (i32) {
          %dma_start3A_251 = arith.constant 0 : i32
          %dma_start3A_252 = tpu.memref_slice %arg5[%select_n3A_197, %dma_start3A_251] : memref<3276800x64xf32, #tpu.memory_space<hbm>> -> memref<512x64xf32, #tpu.memory_space<hbm>>
          %dma_start3A_253 = arith.constant 0 : i32
          %dma_start3A_254 = tpu.memref_slice %arg5[%select_n3A_197, %dma_start3A_253] : memref<3276800x64xf32, #tpu.memory_space<hbm>> -> memref<512x64xf32, #tpu.memory_space<hbm>>
          tpu.enqueue_dma source(%arg9 : memref<512x64xf32, #tpu.memory_space<vmem>>) target(%dma_start3A_254 : memref<512x64xf32, #tpu.memory_space<hbm>>) target_semaphore(%arg15 : memref<!tpu.dma_semaphore, #tpu.memory_space<semaphore_mem>>)
          %cond3A_255 = arith.constant 0 : i32
          scf.yield %cond3A_255 : i32
        } else {
          %dma_start3A_251 = arith.constant 0 : i32
          %dma_start3A_252 = tpu.memref_slice %arg6[%select_n3A_197, %dma_start3A_251] : memref<65536x64xf32, #tpu.memory_space<hbm>> -> memref<512x64xf32, #tpu.memory_space<hbm>>
          %dma_start3A_253 = arith.constant 0 : i32
          %dma_start3A_254 = tpu.memref_slice %arg6[%select_n3A_197, %dma_start3A_253] : memref<65536x64xf32, #tpu.memory_space<hbm>> -> memref<512x64xf32, #tpu.memory_space<hbm>>
          tpu.enqueue_dma source(%arg9 : memref<512x64xf32, #tpu.memory_space<vmem>>) target(%dma_start3A_254 : memref<512x64xf32, #tpu.memory_space<hbm>>) target_semaphore(%arg15 : memref<!tpu.dma_semaphore, #tpu.memory_space<semaphore_mem>>)
          %cond3A_255 = arith.constant 0 : i32
          scf.yield %cond3A_255 : i32
        }
        %add3A_203 = arith.constant 2 : i32
        %add3A_204 = arith.addi %scan3A_132, %add3A_203 : i32
        %lt3A_205 = arith.constant 204 : i32
        %lt3A_206 = arith.cmpi slt, %add3A_204, %lt3A_205 : i32
        %convert_element_type3A_207 = arith.extui %lt3A_206 : i1 to i32
        %cond3A_208 = arith.constant 0 : i32
        %cond3A_209 = arith.constant 0 : i32
        %cond3A_210 = arith.cmpi ne, %convert_element_type3A_207, %cond3A_209 : i32
        %cond3A_211 = scf.if %cond3A_210 -> (i32) {
          %add3A_251 = arith.constant 2 : i32
          %add3A_252 = arith.addi %scan3A_132, %add3A_251 : i32
          %lt3A_253 = arith.constant 200 : i32
          %lt3A_254 = arith.cmpi slt, %add3A_252, %lt3A_253 : i32
          %mul3A_255 = arith.constant 102400 : i32
          %mul3A_256 = arith.muli %add3A, %mul3A_255 : i32
          %mul3A_257 = arith.constant 512 : i32
          %mul3A_258 = arith.muli %add3A_252, %mul3A_257 : i32
          %add3A_259 = arith.addi %mul3A_256, %mul3A_258 : i32
          %mul3A_260 = arith.constant 2048 : i32
          %mul3A_261 = arith.muli %add3A, %mul3A_260 : i32
          %sub3A_262 = arith.constant 200 : i32
          %sub3A_263 = arith.subi %add3A_252, %sub3A_262 : i32
          %mul3A_264 = arith.constant 512 : i32
          %mul3A_265 = arith.muli %sub3A_263, %mul3A_264 : i32
          %add3A_266 = arith.addi %mul3A_261, %mul3A_265 : i32
          %select_n3A_267 = arith.select %lt3A_254, %add3A_259, %add3A_266 : i32
          %convert_element_type3A_268 = arith.extui %lt3A_254 : i1 to i32
          %cond3A_269 = arith.constant 0 : i32
          %cond3A_270 = arith.constant 0 : i32
          %cond3A_271 = arith.cmpi ne, %convert_element_type3A_268, %cond3A_270 : i32
          %cond3A_272 = scf.if %cond3A_271 -> (i32) {
            %dma_start3A_274 = tpu.memref_slice %arg2[%select_n3A_267] : memref<3276800xi32, #tpu.memory_space<hbm>> -> memref<512xi32, #tpu.memory_space<hbm>>
            %dma_start3A_275 = tpu.memref_slice %arg2[%select_n3A_267] : memref<3276800xi32, #tpu.memory_space<hbm>> -> memref<512xi32, #tpu.memory_space<hbm>>
            tpu.enqueue_dma source(%dma_start3A_275 : memref<512xi32, #tpu.memory_space<hbm>>) target(%arg7 : memref<512xi32, #tpu.memory_space<vmem>>) target_semaphore(%arg11 : memref<!tpu.dma_semaphore, #tpu.memory_space<semaphore_mem>>)
            %cond3A_276 = arith.constant 0 : i32
            scf.yield %cond3A_276 : i32
          } else {
            %dma_start3A_274 = tpu.memref_slice %arg3[%select_n3A_267] : memref<65536xi32, #tpu.memory_space<hbm>> -> memref<512xi32, #tpu.memory_space<hbm>>
            %dma_start3A_275 = tpu.memref_slice %arg3[%select_n3A_267] : memref<65536xi32, #tpu.memory_space<hbm>> -> memref<512xi32, #tpu.memory_space<hbm>>
            tpu.enqueue_dma source(%dma_start3A_275 : memref<512xi32, #tpu.memory_space<hbm>>) target(%arg7 : memref<512xi32, #tpu.memory_space<vmem>>) target_semaphore(%arg11 : memref<!tpu.dma_semaphore, #tpu.memory_space<semaphore_mem>>)
            %cond3A_276 = arith.constant 0 : i32
            scf.yield %cond3A_276 : i32
          }
          %cond3A_273 = arith.constant 0 : i32
          scf.yield %cond3A_273 : i32
        } else {
          %cond3A_251 = arith.constant 0 : i32
          scf.yield %cond3A_251 : i32
        }
        %ge3A = arith.constant 1 : i32
        %ge3A_212 = arith.cmpi sge, %scan3A_132, %ge3A : i32
        %convert_element_type3A_213 = arith.extui %ge3A_212 : i1 to i32
        %cond3A_214 = arith.constant 0 : i32
        %cond3A_215 = arith.constant 0 : i32
        %cond3A_216 = arith.cmpi ne, %convert_element_type3A_213, %cond3A_215 : i32
        %cond3A_217 = scf.if %cond3A_216 -> (i32) {
          %dma_wait3A_251 = arith.constant 0 : i32
          %dma_wait3A_252 = arith.constant 0 : i32
          %dma_wait3A_253 = tpu.memref_slice %arg5[%dma_wait3A_251, %dma_wait3A_252] : memref<3276800x64xf32, #tpu.memory_space<hbm>> -> memref<512x64xf32, #tpu.memory_space<hbm>>
          %dma_wait3A_254 = arith.constant 0 : i32
          %dma_wait3A_255 = arith.constant 0 : i32
          %dma_wait3A_256 = tpu.memref_slice %arg5[%dma_wait3A_254, %dma_wait3A_255] : memref<3276800x64xf32, #tpu.memory_space<hbm>> -> memref<512x64xf32, #tpu.memory_space<hbm>>
          tpu.wait_dma2 semaphore(%arg16 : memref<!tpu.dma_semaphore, #tpu.memory_space<semaphore_mem>>) src(%arg10 : memref<512x64xf32, #tpu.memory_space<vmem>>) dst(%dma_wait3A_256 : memref<512x64xf32, #tpu.memory_space<hbm>>)
          %cond3A_257 = arith.constant 0 : i32
          scf.yield %cond3A_257 : i32
        } else {
          %cond3A_251 = arith.constant 0 : i32
          scf.yield %cond3A_251 : i32
        }
        %dma_start3A_218 = arith.constant 0 : i32
        %dma_start3A_219 = arith.constant 0 : i32
        %dma_start3A_220 = tpu.memref_slice %arg10[%dma_start3A_218, %dma_start3A_219] : memref<512x64xf32, #tpu.memory_space<vmem>> -> memref<128x64xf32, #tpu.memory_space<vmem>>
        %dma_start3A_221 = arith.constant 0 : i32
        %dma_start3A_222 = tpu.memref_slice %arg8[%dma_start3A_221] : memref<512xi32, #tpu.memory_space<vmem>> -> memref<128xi32, #tpu.memory_space<vmem>>
        %dma_start3A_223 = arith.constant 0 : i32
        %dma_start3A_224 = arith.constant 0 : i32
        %dma_start3A_225 = tpu.memref_slice %arg4[%dma_start3A_223, %dma_start3A_224] : memref<1025x64xf32, #tpu.memory_space<hbm>> -> memref<1025x64xf32, #tpu.memory_space<hbm>>
        tpu.enqueue_indirect_dma source(%dma_start3A_225 : memref<1025x64xf32, #tpu.memory_space<hbm>>) target(%dma_start3A_220 : memref<128x64xf32, #tpu.memory_space<vmem>>) offsets(%dma_start3A_222 : memref<128xi32, #tpu.memory_space<vmem>>) semaphore(%arg14 : memref<!tpu.dma_semaphore, #tpu.memory_space<semaphore_mem>>)
        %dma_start3A_226 = arith.constant 128 : i32
        %dma_start3A_227 = arith.constant 0 : i32
        %dma_start3A_228 = tpu.memref_slice %arg10[%dma_start3A_226, %dma_start3A_227] : memref<512x64xf32, #tpu.memory_space<vmem>> -> memref<128x64xf32, #tpu.memory_space<vmem>>
        %dma_start3A_229 = arith.constant 128 : i32
        %dma_start3A_230 = tpu.memref_slice %arg8[%dma_start3A_229] : memref<512xi32, #tpu.memory_space<vmem>> -> memref<128xi32, #tpu.memory_space<vmem>>
        %dma_start3A_231 = arith.constant 0 : i32
        %dma_start3A_232 = arith.constant 0 : i32
        %dma_start3A_233 = tpu.memref_slice %arg4[%dma_start3A_231, %dma_start3A_232] : memref<1025x64xf32, #tpu.memory_space<hbm>> -> memref<1025x64xf32, #tpu.memory_space<hbm>>
        tpu.enqueue_indirect_dma source(%dma_start3A_233 : memref<1025x64xf32, #tpu.memory_space<hbm>>) target(%dma_start3A_228 : memref<128x64xf32, #tpu.memory_space<vmem>>) offsets(%dma_start3A_230 : memref<128xi32, #tpu.memory_space<vmem>>) semaphore(%arg14 : memref<!tpu.dma_semaphore, #tpu.memory_space<semaphore_mem>>)
        %dma_start3A_234 = arith.constant 256 : i32
        %dma_start3A_235 = arith.constant 0 : i32
        %dma_start3A_236 = tpu.memref_slice %arg10[%dma_start3A_234, %dma_start3A_235] : memref<512x64xf32, #tpu.memory_space<vmem>> -> memref<128x64xf32, #tpu.memory_space<vmem>>
        %dma_start3A_237 = arith.constant 256 : i32
        %dma_start3A_238 = tpu.memref_slice %arg8[%dma_start3A_237] : memref<512xi32, #tpu.memory_space<vmem>> -> memref<128xi32, #tpu.memory_space<vmem>>
        %dma_start3A_239 = arith.constant 0 : i32
        %dma_start3A_240 = arith.constant 0 : i32
        %dma_start3A_241 = tpu.memref_slice %arg4[%dma_start3A_239, %dma_start3A_240] : memref<1025x64xf32, #tpu.memory_space<hbm>> -> memref<1025x64xf32, #tpu.memory_space<hbm>>
        tpu.enqueue_indirect_dma source(%dma_start3A_241 : memref<1025x64xf32, #tpu.memory_space<hbm>>) target(%dma_start3A_236 : memref<128x64xf32, #tpu.memory_space<vmem>>) offsets(%dma_start3A_238 : memref<128xi32, #tpu.memory_space<vmem>>) semaphore(%arg14 : memref<!tpu.dma_semaphore, #tpu.memory_space<semaphore_mem>>)
        %dma_start3A_242 = arith.constant 384 : i32
        %dma_start3A_243 = arith.constant 0 : i32
        %dma_start3A_244 = tpu.memref_slice %arg10[%dma_start3A_242, %dma_start3A_243] : memref<512x64xf32, #tpu.memory_space<vmem>> -> memref<128x64xf32, #tpu.memory_space<vmem>>
        %dma_start3A_245 = arith.constant 384 : i32
        %dma_start3A_246 = tpu.memref_slice %arg8[%dma_start3A_245] : memref<512xi32, #tpu.memory_space<vmem>> -> memref<128xi32, #tpu.memory_space<vmem>>
        %dma_start3A_247 = arith.constant 0 : i32
        %dma_start3A_248 = arith.constant 0 : i32
        %dma_start3A_249 = tpu.memref_slice %arg4[%dma_start3A_247, %dma_start3A_248] : memref<1025x64xf32, #tpu.memory_space<hbm>> -> memref<1025x64xf32, #tpu.memory_space<hbm>>
        tpu.enqueue_indirect_dma source(%dma_start3A_249 : memref<1025x64xf32, #tpu.memory_space<hbm>>) target(%dma_start3A_244 : memref<128x64xf32, #tpu.memory_space<vmem>>) offsets(%dma_start3A_246 : memref<128xi32, #tpu.memory_space<vmem>>) semaphore(%arg14 : memref<!tpu.dma_semaphore, #tpu.memory_space<semaphore_mem>>)
        %cond3A_250 = arith.constant 0 : i32
        scf.yield %cond3A_250 : i32
      } else {
        %dma_wait3A_152 = arith.constant 0 : i32
        %dma_wait3A_153 = arith.constant 0 : i32
        %dma_wait3A_154 = tpu.memref_slice %arg10[%dma_wait3A_152, %dma_wait3A_153] : memref<512x64xf32, #tpu.memory_space<vmem>> -> memref<128x64xf32, #tpu.memory_space<vmem>>
        %dma_wait3A_155 = arith.constant 0 : i32
        %dma_wait3A_156 = tpu.memref_slice %arg8[%dma_wait3A_155] : memref<512xi32, #tpu.memory_space<vmem>> -> memref<128xi32, #tpu.memory_space<vmem>>
        %dma_wait3A_157 = arith.constant 0 : i32
        %dma_wait3A_158 = arith.constant 0 : i32
        %dma_wait3A_159 = tpu.memref_slice %arg4[%dma_wait3A_157, %dma_wait3A_158] : memref<1025x64xf32, #tpu.memory_space<hbm>> -> memref<1025x64xf32, #tpu.memory_space<hbm>>
        tpu.wait_indirect_dma semaphore(%arg14 : memref<!tpu.dma_semaphore, #tpu.memory_space<semaphore_mem>>) src(%dma_wait3A_159 : memref<1025x64xf32, #tpu.memory_space<hbm>>) dst(%dma_wait3A_154 : memref<128x64xf32, #tpu.memory_space<vmem>>)
        %dma_wait3A_160 = arith.constant 128 : i32
        %dma_wait3A_161 = arith.constant 0 : i32
        %dma_wait3A_162 = tpu.memref_slice %arg10[%dma_wait3A_160, %dma_wait3A_161] : memref<512x64xf32, #tpu.memory_space<vmem>> -> memref<128x64xf32, #tpu.memory_space<vmem>>
        %dma_wait3A_163 = arith.constant 128 : i32
        %dma_wait3A_164 = tpu.memref_slice %arg8[%dma_wait3A_163] : memref<512xi32, #tpu.memory_space<vmem>> -> memref<128xi32, #tpu.memory_space<vmem>>
        %dma_wait3A_165 = arith.constant 0 : i32
        %dma_wait3A_166 = arith.constant 0 : i32
        %dma_wait3A_167 = tpu.memref_slice %arg4[%dma_wait3A_165, %dma_wait3A_166] : memref<1025x64xf32, #tpu.memory_space<hbm>> -> memref<1025x64xf32, #tpu.memory_space<hbm>>
        tpu.wait_indirect_dma semaphore(%arg14 : memref<!tpu.dma_semaphore, #tpu.memory_space<semaphore_mem>>) src(%dma_wait3A_167 : memref<1025x64xf32, #tpu.memory_space<hbm>>) dst(%dma_wait3A_162 : memref<128x64xf32, #tpu.memory_space<vmem>>)
        %dma_wait3A_168 = arith.constant 256 : i32
        %dma_wait3A_169 = arith.constant 0 : i32
        %dma_wait3A_170 = tpu.memref_slice %arg10[%dma_wait3A_168, %dma_wait3A_169] : memref<512x64xf32, #tpu.memory_space<vmem>> -> memref<128x64xf32, #tpu.memory_space<vmem>>
        %dma_wait3A_171 = arith.constant 256 : i32
        %dma_wait3A_172 = tpu.memref_slice %arg8[%dma_wait3A_171] : memref<512xi32, #tpu.memory_space<vmem>> -> memref<128xi32, #tpu.memory_space<vmem>>
        %dma_wait3A_173 = arith.constant 0 : i32
        %dma_wait3A_174 = arith.constant 0 : i32
        %dma_wait3A_175 = tpu.memref_slice %arg4[%dma_wait3A_173, %dma_wait3A_174] : memref<1025x64xf32, #tpu.memory_space<hbm>> -> memref<1025x64xf32, #tpu.memory_space<hbm>>
        tpu.wait_indirect_dma semaphore(%arg14 : memref<!tpu.dma_semaphore, #tpu.memory_space<semaphore_mem>>) src(%dma_wait3A_175 : memref<1025x64xf32, #tpu.memory_space<hbm>>) dst(%dma_wait3A_170 : memref<128x64xf32, #tpu.memory_space<vmem>>)
        %dma_wait3A_176 = arith.constant 384 : i32
        %dma_wait3A_177 = arith.constant 0 : i32
        %dma_wait3A_178 = tpu.memref_slice %arg10[%dma_wait3A_176, %dma_wait3A_177] : memref<512x64xf32, #tpu.memory_space<vmem>> -> memref<128x64xf32, #tpu.memory_space<vmem>>
        %dma_wait3A_179 = arith.constant 384 : i32
        %dma_wait3A_180 = tpu.memref_slice %arg8[%dma_wait3A_179] : memref<512xi32, #tpu.memory_space<vmem>> -> memref<128xi32, #tpu.memory_space<vmem>>
        %dma_wait3A_181 = arith.constant 0 : i32
        %dma_wait3A_182 = arith.constant 0 : i32
        %dma_wait3A_183 = tpu.memref_slice %arg4[%dma_wait3A_181, %dma_wait3A_182] : memref<1025x64xf32, #tpu.memory_space<hbm>> -> memref<1025x64xf32, #tpu.memory_space<hbm>>
        tpu.wait_indirect_dma semaphore(%arg14 : memref<!tpu.dma_semaphore, #tpu.memory_space<semaphore_mem>>) src(%dma_wait3A_183 : memref<1025x64xf32, #tpu.memory_space<hbm>>) dst(%dma_wait3A_178 : memref<128x64xf32, #tpu.memory_space<vmem>>)
        %lt3A_184 = arith.constant 200 : i32
        %lt3A_185 = arith.cmpi slt, %scan3A_132, %lt3A_184 : i32
        %mul3A_186 = arith.constant 102400 : i32
        %mul3A_187 = arith.muli %add3A, %mul3A_186 : i32
        %mul3A_188 = arith.constant 512 : i32
        %mul3A_189 = arith.muli %scan3A_132, %mul3A_188 : i32
        %add3A_190 = arith.addi %mul3A_187, %mul3A_189 : i32
        %mul3A_191 = arith.constant 2048 : i32
        %mul3A_192 = arith.muli %add3A, %mul3A_191 : i32
        %sub3A = arith.constant 200 : i32
        %sub3A_193 = arith.subi %scan3A_132, %sub3A : i32
        %mul3A_194 = arith.constant 512 : i32
        %mul3A_195 = arith.muli %sub3A_193, %mul3A_194 : i32
        %add3A_196 = arith.addi %mul3A_192, %mul3A_195 : i32
        %select_n3A_197 = arith.select %lt3A_185, %add3A_190, %add3A_196 : i32
        %convert_element_type3A_198 = arith.extui %lt3A_185 : i1 to i32
        %cond3A_199 = arith.constant 0 : i32
        %cond3A_200 = arith.constant 0 : i32
        %cond3A_201 = arith.cmpi ne, %convert_element_type3A_198, %cond3A_200 : i32
        %cond3A_202 = scf.if %cond3A_201 -> (i32) {
          %dma_start3A_251 = arith.constant 0 : i32
          %dma_start3A_252 = tpu.memref_slice %arg5[%select_n3A_197, %dma_start3A_251] : memref<3276800x64xf32, #tpu.memory_space<hbm>> -> memref<512x64xf32, #tpu.memory_space<hbm>>
          %dma_start3A_253 = arith.constant 0 : i32
          %dma_start3A_254 = tpu.memref_slice %arg5[%select_n3A_197, %dma_start3A_253] : memref<3276800x64xf32, #tpu.memory_space<hbm>> -> memref<512x64xf32, #tpu.memory_space<hbm>>
          tpu.enqueue_dma source(%arg10 : memref<512x64xf32, #tpu.memory_space<vmem>>) target(%dma_start3A_254 : memref<512x64xf32, #tpu.memory_space<hbm>>) target_semaphore(%arg16 : memref<!tpu.dma_semaphore, #tpu.memory_space<semaphore_mem>>)
          %cond3A_255 = arith.constant 0 : i32
          scf.yield %cond3A_255 : i32
        } else {
          %dma_start3A_251 = arith.constant 0 : i32
          %dma_start3A_252 = tpu.memref_slice %arg6[%select_n3A_197, %dma_start3A_251] : memref<65536x64xf32, #tpu.memory_space<hbm>> -> memref<512x64xf32, #tpu.memory_space<hbm>>
          %dma_start3A_253 = arith.constant 0 : i32
          %dma_start3A_254 = tpu.memref_slice %arg6[%select_n3A_197, %dma_start3A_253] : memref<65536x64xf32, #tpu.memory_space<hbm>> -> memref<512x64xf32, #tpu.memory_space<hbm>>
          tpu.enqueue_dma source(%arg10 : memref<512x64xf32, #tpu.memory_space<vmem>>) target(%dma_start3A_254 : memref<512x64xf32, #tpu.memory_space<hbm>>) target_semaphore(%arg16 : memref<!tpu.dma_semaphore, #tpu.memory_space<semaphore_mem>>)
          %cond3A_255 = arith.constant 0 : i32
          scf.yield %cond3A_255 : i32
        }
        %add3A_203 = arith.constant 2 : i32
        %add3A_204 = arith.addi %scan3A_132, %add3A_203 : i32
        %lt3A_205 = arith.constant 204 : i32
        %lt3A_206 = arith.cmpi slt, %add3A_204, %lt3A_205 : i32
        %convert_element_type3A_207 = arith.extui %lt3A_206 : i1 to i32
        %cond3A_208 = arith.constant 0 : i32
        %cond3A_209 = arith.constant 0 : i32
        %cond3A_210 = arith.cmpi ne, %convert_element_type3A_207, %cond3A_209 : i32
        %cond3A_211 = scf.if %cond3A_210 -> (i32) {
          %add3A_251 = arith.constant 2 : i32
          %add3A_252 = arith.addi %scan3A_132, %add3A_251 : i32
          %lt3A_253 = arith.constant 200 : i32
          %lt3A_254 = arith.cmpi slt, %add3A_252, %lt3A_253 : i32
          %mul3A_255 = arith.constant 102400 : i32
          %mul3A_256 = arith.muli %add3A, %mul3A_255 : i32
          %mul3A_257 = arith.constant 512 : i32
          %mul3A_258 = arith.muli %add3A_252, %mul3A_257 : i32
          %add3A_259 = arith.addi %mul3A_256, %mul3A_258 : i32
          %mul3A_260 = arith.constant 2048 : i32
          %mul3A_261 = arith.muli %add3A, %mul3A_260 : i32
          %sub3A_262 = arith.constant 200 : i32
          %sub3A_263 = arith.subi %add3A_252, %sub3A_262 : i32
          %mul3A_264 = arith.constant 512 : i32
          %mul3A_265 = arith.muli %sub3A_263, %mul3A_264 : i32
          %add3A_266 = arith.addi %mul3A_261, %mul3A_265 : i32
          %select_n3A_267 = arith.select %lt3A_254, %add3A_259, %add3A_266 : i32
          %convert_element_type3A_268 = arith.extui %lt3A_254 : i1 to i32
          %cond3A_269 = arith.constant 0 : i32
          %cond3A_270 = arith.constant 0 : i32
          %cond3A_271 = arith.cmpi ne, %convert_element_type3A_268, %cond3A_270 : i32
          %cond3A_272 = scf.if %cond3A_271 -> (i32) {
            %dma_start3A_274 = tpu.memref_slice %arg2[%select_n3A_267] : memref<3276800xi32, #tpu.memory_space<hbm>> -> memref<512xi32, #tpu.memory_space<hbm>>
            %dma_start3A_275 = tpu.memref_slice %arg2[%select_n3A_267] : memref<3276800xi32, #tpu.memory_space<hbm>> -> memref<512xi32, #tpu.memory_space<hbm>>
            tpu.enqueue_dma source(%dma_start3A_275 : memref<512xi32, #tpu.memory_space<hbm>>) target(%arg8 : memref<512xi32, #tpu.memory_space<vmem>>) target_semaphore(%arg12 : memref<!tpu.dma_semaphore, #tpu.memory_space<semaphore_mem>>)
            %cond3A_276 = arith.constant 0 : i32
            scf.yield %cond3A_276 : i32
          } else {
            %dma_start3A_274 = tpu.memref_slice %arg3[%select_n3A_267] : memref<65536xi32, #tpu.memory_space<hbm>> -> memref<512xi32, #tpu.memory_space<hbm>>
            %dma_start3A_275 = tpu.memref_slice %arg3[%select_n3A_267] : memref<65536xi32, #tpu.memory_space<hbm>> -> memref<512xi32, #tpu.memory_space<hbm>>
            tpu.enqueue_dma source(%dma_start3A_275 : memref<512xi32, #tpu.memory_space<hbm>>) target(%arg8 : memref<512xi32, #tpu.memory_space<vmem>>) target_semaphore(%arg12 : memref<!tpu.dma_semaphore, #tpu.memory_space<semaphore_mem>>)
            %cond3A_276 = arith.constant 0 : i32
            scf.yield %cond3A_276 : i32
          }
          %cond3A_273 = arith.constant 0 : i32
          scf.yield %cond3A_273 : i32
        } else {
          %cond3A_251 = arith.constant 0 : i32
          scf.yield %cond3A_251 : i32
        }
        %ge3A = arith.constant 1 : i32
        %ge3A_212 = arith.cmpi sge, %scan3A_132, %ge3A : i32
        %convert_element_type3A_213 = arith.extui %ge3A_212 : i1 to i32
        %cond3A_214 = arith.constant 0 : i32
        %cond3A_215 = arith.constant 0 : i32
        %cond3A_216 = arith.cmpi ne, %convert_element_type3A_213, %cond3A_215 : i32
        %cond3A_217 = scf.if %cond3A_216 -> (i32) {
          %dma_wait3A_251 = arith.constant 0 : i32
          %dma_wait3A_252 = arith.constant 0 : i32
          %dma_wait3A_253 = tpu.memref_slice %arg5[%dma_wait3A_251, %dma_wait3A_252] : memref<3276800x64xf32, #tpu.memory_space<hbm>> -> memref<512x64xf32, #tpu.memory_space<hbm>>
          %dma_wait3A_254 = arith.constant 0 : i32
          %dma_wait3A_255 = arith.constant 0 : i32
          %dma_wait3A_256 = tpu.memref_slice %arg5[%dma_wait3A_254, %dma_wait3A_255] : memref<3276800x64xf32, #tpu.memory_space<hbm>> -> memref<512x64xf32, #tpu.memory_space<hbm>>
          tpu.wait_dma2 semaphore(%arg15 : memref<!tpu.dma_semaphore, #tpu.memory_space<semaphore_mem>>) src(%arg9 : memref<512x64xf32, #tpu.memory_space<vmem>>) dst(%dma_wait3A_256 : memref<512x64xf32, #tpu.memory_space<hbm>>)
          %cond3A_257 = arith.constant 0 : i32
          scf.yield %cond3A_257 : i32
        } else {
          %cond3A_251 = arith.constant 0 : i32
          scf.yield %cond3A_251 : i32
        }
        %dma_start3A_218 = arith.constant 0 : i32
        %dma_start3A_219 = arith.constant 0 : i32
        %dma_start3A_220 = tpu.memref_slice %arg9[%dma_start3A_218, %dma_start3A_219] : memref<512x64xf32, #tpu.memory_space<vmem>> -> memref<128x64xf32, #tpu.memory_space<vmem>>
        %dma_start3A_221 = arith.constant 0 : i32
        %dma_start3A_222 = tpu.memref_slice %arg7[%dma_start3A_221] : memref<512xi32, #tpu.memory_space<vmem>> -> memref<128xi32, #tpu.memory_space<vmem>>
        %dma_start3A_223 = arith.constant 0 : i32
        %dma_start3A_224 = arith.constant 0 : i32
        %dma_start3A_225 = tpu.memref_slice %arg4[%dma_start3A_223, %dma_start3A_224] : memref<1025x64xf32, #tpu.memory_space<hbm>> -> memref<1025x64xf32, #tpu.memory_space<hbm>>
        tpu.enqueue_indirect_dma source(%dma_start3A_225 : memref<1025x64xf32, #tpu.memory_space<hbm>>) target(%dma_start3A_220 : memref<128x64xf32, #tpu.memory_space<vmem>>) offsets(%dma_start3A_222 : memref<128xi32, #tpu.memory_space<vmem>>) semaphore(%arg13 : memref<!tpu.dma_semaphore, #tpu.memory_space<semaphore_mem>>)
        %dma_start3A_226 = arith.constant 128 : i32
        %dma_start3A_227 = arith.constant 0 : i32
        %dma_start3A_228 = tpu.memref_slice %arg9[%dma_start3A_226, %dma_start3A_227] : memref<512x64xf32, #tpu.memory_space<vmem>> -> memref<128x64xf32, #tpu.memory_space<vmem>>
        %dma_start3A_229 = arith.constant 128 : i32
        %dma_start3A_230 = tpu.memref_slice %arg7[%dma_start3A_229] : memref<512xi32, #tpu.memory_space<vmem>> -> memref<128xi32, #tpu.memory_space<vmem>>
        %dma_start3A_231 = arith.constant 0 : i32
        %dma_start3A_232 = arith.constant 0 : i32
        %dma_start3A_233 = tpu.memref_slice %arg4[%dma_start3A_231, %dma_start3A_232] : memref<1025x64xf32, #tpu.memory_space<hbm>> -> memref<1025x64xf32, #tpu.memory_space<hbm>>
        tpu.enqueue_indirect_dma source(%dma_start3A_233 : memref<1025x64xf32, #tpu.memory_space<hbm>>) target(%dma_start3A_228 : memref<128x64xf32, #tpu.memory_space<vmem>>) offsets(%dma_start3A_230 : memref<128xi32, #tpu.memory_space<vmem>>) semaphore(%arg13 : memref<!tpu.dma_semaphore, #tpu.memory_space<semaphore_mem>>)
        %dma_start3A_234 = arith.constant 256 : i32
        %dma_start3A_235 = arith.constant 0 : i32
        %dma_start3A_236 = tpu.memref_slice %arg9[%dma_start3A_234, %dma_start3A_235] : memref<512x64xf32, #tpu.memory_space<vmem>> -> memref<128x64xf32, #tpu.memory_space<vmem>>
        %dma_start3A_237 = arith.constant 256 : i32
        %dma_start3A_238 = tpu.memref_slice %arg7[%dma_start3A_237] : memref<512xi32, #tpu.memory_space<vmem>> -> memref<128xi32, #tpu.memory_space<vmem>>
        %dma_start3A_239 = arith.constant 0 : i32
        %dma_start3A_240 = arith.constant 0 : i32
        %dma_start3A_241 = tpu.memref_slice %arg4[%dma_start3A_239, %dma_start3A_240] : memref<1025x64xf32, #tpu.memory_space<hbm>> -> memref<1025x64xf32, #tpu.memory_space<hbm>>
        tpu.enqueue_indirect_dma source(%dma_start3A_241 : memref<1025x64xf32, #tpu.memory_space<hbm>>) target(%dma_start3A_236 : memref<128x64xf32, #tpu.memory_space<vmem>>) offsets(%dma_start3A_238 : memref<128xi32, #tpu.memory_space<vmem>>) semaphore(%arg13 : memref<!tpu.dma_semaphore, #tpu.memory_space<semaphore_mem>>)
        %dma_start3A_242 = arith.constant 384 : i32
        %dma_start3A_243 = arith.constant 0 : i32
        %dma_start3A_244 = tpu.memref_slice %arg9[%dma_start3A_242, %dma_start3A_243] : memref<512x64xf32, #tpu.memory_space<vmem>> -> memref<128x64xf32, #tpu.memory_space<vmem>>
        %dma_start3A_245 = arith.constant 384 : i32
        %dma_start3A_246 = tpu.memref_slice %arg7[%dma_start3A_245] : memref<512xi32, #tpu.memory_space<vmem>> -> memref<128xi32, #tpu.memory_space<vmem>>
        %dma_start3A_247 = arith.constant 0 : i32
        %dma_start3A_248 = arith.constant 0 : i32
        %dma_start3A_249 = tpu.memref_slice %arg4[%dma_start3A_247, %dma_start3A_248] : memref<1025x64xf32, #tpu.memory_space<hbm>> -> memref<1025x64xf32, #tpu.memory_space<hbm>>
        tpu.enqueue_indirect_dma source(%dma_start3A_249 : memref<1025x64xf32, #tpu.memory_space<hbm>>) target(%dma_start3A_244 : memref<128x64xf32, #tpu.memory_space<vmem>>) offsets(%dma_start3A_246 : memref<128xi32, #tpu.memory_space<vmem>>) semaphore(%arg13 : memref<!tpu.dma_semaphore, #tpu.memory_space<semaphore_mem>>)
        %cond3A_250 = arith.constant 0 : i32
        scf.yield %cond3A_250 : i32
      }
    }
    %scan3A_70 = arith.constant 203 : i32
    %dma_wait3A_71 = arith.constant 0 : i32
    %dma_wait3A_72 = arith.constant 0 : i32
    %dma_wait3A_73 = tpu.memref_slice %arg10[%dma_wait3A_71, %dma_wait3A_72] : memref<512x64xf32, #tpu.memory_space<vmem>> -> memref<128x64xf32, #tpu.memory_space<vmem>>
    %dma_wait3A_74 = arith.constant 0 : i32
    %dma_wait3A_75 = tpu.memref_slice %arg8[%dma_wait3A_74] : memref<512xi32, #tpu.memory_space<vmem>> -> memref<128xi32, #tpu.memory_space<vmem>>
    %dma_wait3A_76 = arith.constant 0 : i32
    %dma_wait3A_77 = arith.constant 0 : i32
    %dma_wait3A_78 = tpu.memref_slice %arg4[%dma_wait3A_76, %dma_wait3A_77] : memref<1025x64xf32, #tpu.memory_space<hbm>> -> memref<1025x64xf32, #tpu.memory_space<hbm>>
    tpu.wait_indirect_dma semaphore(%arg14 : memref<!tpu.dma_semaphore, #tpu.memory_space<semaphore_mem>>) src(%dma_wait3A_78 : memref<1025x64xf32, #tpu.memory_space<hbm>>) dst(%dma_wait3A_73 : memref<128x64xf32, #tpu.memory_space<vmem>>)
    %dma_wait3A_79 = arith.constant 128 : i32
    %dma_wait3A_80 = arith.constant 0 : i32
    %dma_wait3A_81 = tpu.memref_slice %arg10[%dma_wait3A_79, %dma_wait3A_80] : memref<512x64xf32, #tpu.memory_space<vmem>> -> memref<128x64xf32, #tpu.memory_space<vmem>>
    %dma_wait3A_82 = arith.constant 128 : i32
    %dma_wait3A_83 = tpu.memref_slice %arg8[%dma_wait3A_82] : memref<512xi32, #tpu.memory_space<vmem>> -> memref<128xi32, #tpu.memory_space<vmem>>
    %dma_wait3A_84 = arith.constant 0 : i32
    %dma_wait3A_85 = arith.constant 0 : i32
    %dma_wait3A_86 = tpu.memref_slice %arg4[%dma_wait3A_84, %dma_wait3A_85] : memref<1025x64xf32, #tpu.memory_space<hbm>> -> memref<1025x64xf32, #tpu.memory_space<hbm>>
    tpu.wait_indirect_dma semaphore(%arg14 : memref<!tpu.dma_semaphore, #tpu.memory_space<semaphore_mem>>) src(%dma_wait3A_86 : memref<1025x64xf32, #tpu.memory_space<hbm>>) dst(%dma_wait3A_81 : memref<128x64xf32, #tpu.memory_space<vmem>>)
    %dma_wait3A_87 = arith.constant 256 : i32
    %dma_wait3A_88 = arith.constant 0 : i32
    %dma_wait3A_89 = tpu.memref_slice %arg10[%dma_wait3A_87, %dma_wait3A_88] : memref<512x64xf32, #tpu.memory_space<vmem>> -> memref<128x64xf32, #tpu.memory_space<vmem>>
    %dma_wait3A_90 = arith.constant 256 : i32
    %dma_wait3A_91 = tpu.memref_slice %arg8[%dma_wait3A_90] : memref<512xi32, #tpu.memory_space<vmem>> -> memref<128xi32, #tpu.memory_space<vmem>>
    %dma_wait3A_92 = arith.constant 0 : i32
    %dma_wait3A_93 = arith.constant 0 : i32
    %dma_wait3A_94 = tpu.memref_slice %arg4[%dma_wait3A_92, %dma_wait3A_93] : memref<1025x64xf32, #tpu.memory_space<hbm>> -> memref<1025x64xf32, #tpu.memory_space<hbm>>
    tpu.wait_indirect_dma semaphore(%arg14 : memref<!tpu.dma_semaphore, #tpu.memory_space<semaphore_mem>>) src(%dma_wait3A_94 : memref<1025x64xf32, #tpu.memory_space<hbm>>) dst(%dma_wait3A_89 : memref<128x64xf32, #tpu.memory_space<vmem>>)
    %dma_wait3A_95 = arith.constant 384 : i32
    %dma_wait3A_96 = arith.constant 0 : i32
    %dma_wait3A_97 = tpu.memref_slice %arg10[%dma_wait3A_95, %dma_wait3A_96] : memref<512x64xf32, #tpu.memory_space<vmem>> -> memref<128x64xf32, #tpu.memory_space<vmem>>
    %dma_wait3A_98 = arith.constant 384 : i32
    %dma_wait3A_99 = tpu.memref_slice %arg8[%dma_wait3A_98] : memref<512xi32, #tpu.memory_space<vmem>> -> memref<128xi32, #tpu.memory_space<vmem>>
    %dma_wait3A_100 = arith.constant 0 : i32
    %dma_wait3A_101 = arith.constant 0 : i32
    %dma_wait3A_102 = tpu.memref_slice %arg4[%dma_wait3A_100, %dma_wait3A_101] : memref<1025x64xf32, #tpu.memory_space<hbm>> -> memref<1025x64xf32, #tpu.memory_space<hbm>>
    tpu.wait_indirect_dma semaphore(%arg14 : memref<!tpu.dma_semaphore, #tpu.memory_space<semaphore_mem>>) src(%dma_wait3A_102 : memref<1025x64xf32, #tpu.memory_space<hbm>>) dst(%dma_wait3A_97 : memref<128x64xf32, #tpu.memory_space<vmem>>)
    %mul3A_103 = arith.constant 102400 : i32
    %mul3A_104 = arith.muli %add3A, %mul3A_103 : i32
    %add3A_105 = arith.constant 103936 : i32
    %add3A_106 = arith.addi %mul3A_104, %add3A_105 : i32
    %mul3A_107 = arith.constant 2048 : i32
    %mul3A_108 = arith.muli %add3A, %mul3A_107 : i32
    %add3A_109 = arith.constant 1536 : i32
    %add3A_110 = arith.addi %mul3A_108, %add3A_109 : i32
    %jit3A_111 = arith.constant false
    %select_n3A_112 = arith.select %jit3A_111, %add3A_106, %add3A_110 : i32
    %cond3A_113 = arith.constant 0 : i32
    %cond3A_114 = arith.constant 0 : i32
    %dma_start3A_115 = arith.constant 0 : i32
    %dma_start3A_116 = tpu.memref_slice %arg6[%select_n3A_112, %dma_start3A_115] : memref<65536x64xf32, #tpu.memory_space<hbm>> -> memref<512x64xf32, #tpu.memory_space<hbm>>
    %dma_start3A_117 = arith.constant 0 : i32
    %dma_start3A_118 = tpu.memref_slice %arg6[%select_n3A_112, %dma_start3A_117] : memref<65536x64xf32, #tpu.memory_space<hbm>> -> memref<512x64xf32, #tpu.memory_space<hbm>>
    tpu.enqueue_dma source(%arg10 : memref<512x64xf32, #tpu.memory_space<vmem>>) target(%dma_start3A_118 : memref<512x64xf32, #tpu.memory_space<hbm>>) target_semaphore(%arg16 : memref<!tpu.dma_semaphore, #tpu.memory_space<semaphore_mem>>)
    %cond3A_119 = arith.constant 0 : i32
    %dma_wait3A_120 = arith.constant 0 : i32
    %dma_wait3A_121 = arith.constant 0 : i32
    %dma_wait3A_122 = tpu.memref_slice %arg5[%dma_wait3A_120, %dma_wait3A_121] : memref<3276800x64xf32, #tpu.memory_space<hbm>> -> memref<512x64xf32, #tpu.memory_space<hbm>>
    %dma_wait3A_123 = arith.constant 0 : i32
    %dma_wait3A_124 = arith.constant 0 : i32
    %dma_wait3A_125 = tpu.memref_slice %arg5[%dma_wait3A_123, %dma_wait3A_124] : memref<3276800x64xf32, #tpu.memory_space<hbm>> -> memref<512x64xf32, #tpu.memory_space<hbm>>
    tpu.wait_dma2 semaphore(%arg15 : memref<!tpu.dma_semaphore, #tpu.memory_space<semaphore_mem>>) src(%arg9 : memref<512x64xf32, #tpu.memory_space<vmem>>) dst(%dma_wait3A_125 : memref<512x64xf32, #tpu.memory_space<hbm>>)
    %dma_wait3A_126 = arith.constant 0 : i32
    %dma_wait3A_127 = arith.constant 0 : i32
    %dma_wait3A_128 = tpu.memref_slice %arg5[%dma_wait3A_126, %dma_wait3A_127] : memref<3276800x64xf32, #tpu.memory_space<hbm>> -> memref<512x64xf32, #tpu.memory_space<hbm>>
    %dma_wait3A_129 = arith.constant 0 : i32
    %dma_wait3A_130 = arith.constant 0 : i32
    %dma_wait3A_131 = tpu.memref_slice %arg5[%dma_wait3A_129, %dma_wait3A_130] : memref<3276800x64xf32, #tpu.memory_space<hbm>> -> memref<512x64xf32, #tpu.memory_space<hbm>>
    tpu.wait_dma2 semaphore(%arg16 : memref<!tpu.dma_semaphore, #tpu.memory_space<semaphore_mem>>) src(%arg10 : memref<512x64xf32, #tpu.memory_space<vmem>>) dst(%dma_wait3A_131 : memref<512x64xf32, #tpu.memory_space<hbm>>)
    return
  }
}

module attributes {stable_mosaic.version = 14 : i64} {
  func.func @_ids_fut_body(%arg0: i32, %arg1: memref<512x128xi32, #tpu.memory_space<vmem>>, %arg2: memref<512x128xi32, #tpu.memory_space<vmem>>, %arg3: memref<512x128xi32, #tpu.memory_space<vmem>>) attributes {dimension_semantics = [#tpu.dimension_semantics<arbitrary>], iteration_bounds = array<i64: 1>, scalar_prefetch = 0 : i64, scratch_operands = 0 : i64, tpu.core_type = #tpu.core_type<tc>, window_params = [{pipeline_mode = #tpu.pipeline_mode<synchronous>, transform_indices = @transform_0, window_bounds = array<i64: 512, 128>}, {pipeline_mode = #tpu.pipeline_mode<synchronous>, transform_indices = @transform_1, window_bounds = array<i64: 512, 128>}, {pipeline_mode = #tpu.pipeline_mode<synchronous>, transform_indices = @transform_2, window_bounds = array<i64: 512, 128>}]} {
    %get3A = arith.constant 0 : index
    %get3A_0 = arith.constant 0 : index
    %get3A_1 = vector.load %arg1[%get3A, %get3A_0] : memref<512x128xi32, #tpu.memory_space<vmem>>, vector<512x128xi32>
    %get3A_2 = arith.constant 0 : index
    %get3A_3 = arith.constant 0 : index
    %get3A_4 = vector.load %arg2[%get3A_2, %get3A_3] : memref<512x128xi32, #tpu.memory_space<vmem>>, vector<512x128xi32>
    %jit3A = arith.constant 0 : i32
    %jit3A_5 = arith.constant 3 : i32
    %max3A = vector.broadcast %jit3A : i32 to vector<512x128xi32>
    %max3A_6 = arith.maxsi %max3A, %get3A_4 : vector<512x128xi32>
    %min3A = vector.broadcast %jit3A_5 : i32 to vector<512x128xi32>
    %min3A_7 = arith.minsi %min3A, %max3A_6 : vector<512x128xi32>
    %mul3A = arith.constant 256 : i32
    %mul3A_8 = vector.broadcast %mul3A : i32 to vector<512x128xi32>
    %mul3A_9 = arith.muli %min3A_7, %mul3A_8 : vector<512x128xi32>
    %add3A = arith.addi %mul3A_9, %get3A_1 : vector<512x128xi32>
    %gt3A = arith.constant 1023 : i32
    %gt3A_10 = vector.broadcast %gt3A : i32 to vector<512x128xi32>
    %gt3A_11 = arith.cmpi sgt, %add3A, %gt3A_10 : vector<512x128xi32>
    %lt3A = arith.constant 0 : i32
    %lt3A_12 = vector.broadcast %lt3A : i32 to vector<512x128xi32>
    %lt3A_13 = arith.cmpi slt, %add3A, %lt3A_12 : vector<512x128xi32>
    %or3A = arith.ori %gt3A_11, %lt3A_13 : vector<512x128xi1>
    %ne3A = arith.constant -1 : i32
    %ne3A_14 = vector.broadcast %ne3A : i32 to vector<512x128xi32>
    %ne3A_15 = arith.cmpi ne, %get3A_1, %ne3A_14 : vector<512x128xi32>
    %and3A = arith.andi %or3A, %ne3A_15 : vector<512x128xi1>
    %jit3A_16 = arith.constant 1024 : i32
    %broadcast_in_dim3A = vector.broadcast %jit3A_16 : i32 to vector<512x128xi32>
    %select_n3A = arith.select %and3A, %broadcast_in_dim3A, %add3A : vector<512x128xi1>, vector<512x128xi32>
    %swap3A = arith.constant 0 : index
    %swap3A_17 = arith.constant 0 : index
    %swap3A_18 = vector.load %arg3[%swap3A, %swap3A_17] : memref<512x128xi32, #tpu.memory_space<vmem>>, vector<512x128xi32>
    tpu.vector_store %arg3[%swap3A, %swap3A_17], %select_n3A {strides = array<i32>} : memref<512x128xi32, #tpu.memory_space<vmem>>, vector<512x128xi32>,
    return
  }
  func.func @transform_0(%arg0: i32) -> (i32, i32) {
    %c0_i32 = arith.constant 0 : i32
    %c0_i32_0 = arith.constant 0 : i32
    %c0_i32_1 = arith.constant 0 : i32
    return %c0_i32, %c0_i32_0 : i32, i32
  }
  func.func @transform_1(%arg0: i32) -> (i32, i32) {
    %c0_i32 = arith.constant 0 : i32
    %c0_i32_0 = arith.constant 0 : i32
    %c0_i32_1 = arith.constant 0 : i32
    return %c0_i32, %c0_i32_0 : i32, i32
  }
  func.func @transform_2(%arg0: i32) -> (i32, i32) {
    %c0_i32 = arith.constant 0 : i32
    %c0_i32_0 = arith.constant 0 : i32
    %c0_i32_1 = arith.constant 0 : i32
    return %c0_i32, %c0_i32_0 : i32, i32
  }
}

module attributes {stable_mosaic.version = 14 : i64} {
  func.func @_ids_seq_body(%arg0: i32, %arg1: memref<3200x128xi32, #tpu.memory_space<vmem>>, %arg2: memref<3200x128xi32, #tpu.memory_space<vmem>>, %arg3: memref<3200x128xi32, #tpu.memory_space<vmem>>, %arg4: memref<3200x128xi32, #tpu.memory_space<vmem>>) attributes {dimension_semantics = [#tpu.dimension_semantics<arbitrary>], iteration_bounds = array<i64: 8>, scalar_prefetch = 0 : i64, scratch_operands = 0 : i64, tpu.core_type = #tpu.core_type<tc>, window_params = [{transform_indices = @transform_0, window_bounds = array<i64: 3200, 128>}, {transform_indices = @transform_1, window_bounds = array<i64: 3200, 128>}, {transform_indices = @transform_2, window_bounds = array<i64: 3200, 128>}, {transform_indices = @transform_3, window_bounds = array<i64: 3200, 128>}]} {
    %get3A = arith.constant 0 : index
    %get3A_0 = arith.constant 0 : index
    %get3A_1 = vector.load %arg1[%get3A, %get3A_0] : memref<3200x128xi32, #tpu.memory_space<vmem>>, vector<3200x128xi32>
    %get3A_2 = arith.constant 0 : index
    %get3A_3 = arith.constant 0 : index
    %get3A_4 = vector.load %arg2[%get3A_2, %get3A_3] : memref<3200x128xi32, #tpu.memory_space<vmem>>, vector<3200x128xi32>
    %jit3A = arith.constant 0 : i32
    %jit3A_5 = arith.constant 3 : i32
    %max3A = vector.broadcast %jit3A : i32 to vector<3200x128xi32>
    %max3A_6 = arith.maxsi %max3A, %get3A_4 : vector<3200x128xi32>
    %min3A = vector.broadcast %jit3A_5 : i32 to vector<3200x128xi32>
    %min3A_7 = arith.minsi %min3A, %max3A_6 : vector<3200x128xi32>
    %mul3A = arith.constant 256 : i32
    %mul3A_8 = vector.broadcast %mul3A : i32 to vector<3200x128xi32>
    %mul3A_9 = arith.muli %min3A_7, %mul3A_8 : vector<3200x128xi32>
    %add3A = arith.addi %mul3A_9, %get3A_1 : vector<3200x128xi32>
    %gt3A = arith.constant 1023 : i32
    %gt3A_10 = vector.broadcast %gt3A : i32 to vector<3200x128xi32>
    %gt3A_11 = arith.cmpi sgt, %add3A, %gt3A_10 : vector<3200x128xi32>
    %lt3A = arith.constant 0 : i32
    %lt3A_12 = vector.broadcast %lt3A : i32 to vector<3200x128xi32>
    %lt3A_13 = arith.cmpi slt, %add3A, %lt3A_12 : vector<3200x128xi32>
    %or3A = arith.ori %gt3A_11, %lt3A_13 : vector<3200x128xi1>
    %ne3A = arith.constant -1 : i32
    %ne3A_14 = vector.broadcast %ne3A : i32 to vector<3200x128xi32>
    %ne3A_15 = arith.cmpi ne, %get3A_1, %ne3A_14 : vector<3200x128xi32>
    %and3A = arith.andi %or3A, %ne3A_15 : vector<3200x128xi1>
    %jit3A_16 = arith.constant 1024 : i32
    %broadcast_in_dim3A = vector.broadcast %jit3A_16 : i32 to vector<3200x128xi32>
    %select_n3A = arith.select %and3A, %broadcast_in_dim3A, %add3A : vector<3200x128xi1>, vector<3200x128xi32>
    %get3A_17 = arith.constant 0 : index
    %get3A_18 = arith.constant 0 : index
    %get3A_19 = vector.load %arg3[%get3A_17, %get3A_18] : memref<3200x128xi32, #tpu.memory_space<vmem>>, vector<3200x128xi32>
    %get3A_20 = arith.constant dense<0> : vector<3200x128xi32>
    %get3A_21 = arith.cmpi ne, %get3A_19, %get3A_20 : vector<3200x128xi32>
    %jit3A_22 = arith.constant 1024 : i32
    %broadcast_in_dim3A_23 = vector.broadcast %jit3A_22 : i32 to vector<3200x128xi32>
    %select_n3A_24 = arith.select %get3A_21, %select_n3A, %broadcast_in_dim3A_23 : vector<3200x128xi1>, vector<3200x128xi32>
    %swap3A = arith.constant 0 : index
    %swap3A_25 = arith.constant 0 : index
    %swap3A_26 = vector.load %arg4[%swap3A, %swap3A_25] : memref<3200x128xi32, #tpu.memory_space<vmem>>, vector<3200x128xi32>
    tpu.vector_store %arg4[%swap3A, %swap3A_25], %select_n3A_24 {strides = array<i32>} : memref<3200x128xi32, #tpu.memory_space<vmem>>, vector<3200x128xi32>,
    return
  }
  func.func @transform_0(%arg0: i32) -> (i32, i32) {
    %c0_i32 = arith.constant 0 : i32
    %c0_i32_0 = arith.constant 0 : i32
    return %arg0, %c0_i32 : i32, i32
  }
  func.func @transform_1(%arg0: i32) -> (i32, i32) {
    %c0_i32 = arith.constant 0 : i32
    %c0_i32_0 = arith.constant 0 : i32
    return %arg0, %c0_i32 : i32, i32
  }
  func.func @transform_2(%arg0: i32) -> (i32, i32) {
    %c0_i32 = arith.constant 0 : i32
    %c0_i32_0 = arith.constant 0 : i32
    return %arg0, %c0_i32 : i32, i32
  }
  func.func @transform_3(%arg0: i32) -> (i32, i32) {
    %c0_i32 = arith.constant 0 : i32
    %c0_i32_0 = arith.constant 0 : i32
    return %arg0, %c0_i32 : i32, i32
  }
}

</mosaic_0001>

<sc_bundles>
// kernel: kernel.5.cloned.1.call-start
scs
__scs_entry_jumppad:
0x0: {  	(pc) =	sbr.rel $0x88, $3  }
0x1: {  	(tag) =	ssettag $0x0;
	lr =	simm.s32 $0x1  }
0x2: {  	[smem:$0x3F9B] =	sst lr;
	_ =	strace $0xD0000000  }
0x3: {  	_ = 	snop  }
0x4: {  	_ = 	snop  }
0x5: {  	_ = 	snop  }
0x6: {  	_ = 	snop  }
0x7: {  	_ = 	snop  }
__scs_overlays_trampoline_lowered:
0x8: {  	[smem:$0x3FAA] =	sst s0  }
0x9: {  	[smem:$0x3FAB] =	sst s1  }
0xa: {  	[smem:$0x3FAC] =	sst s2  }
0xb: {  	[smem:$0x3FAD] =	sst s3  }
0xc: {  	[smem:$0x3FAE] =	sst s4  }
0xd: {  	[smem:$0x3FAF] =	sst s5  }
0xe: {  	[smem:$0x3FB0] =	sst s6  }
0xf: {  	[smem:$0x3FB1] =	sst s7  }
0x10: {  	[smem:$0x3FB2] =	sst s8  }
0x11: {  	[smem:$0x3FB3] =	sst s9;
	s0 =	simm.s32 @!p0 $0x0  }
0x12: {  	s1 =	sld [smem:$0x3F99];
	s0 =	simm.s32 @p0 $0x1  }
0x13: {  	[smem:$0x3FB4] =	sst s0;
	s0 =	simm.s32 @!p1 $0x0  }
0x14: {  	s2 =	sld [smem:$0x3F98];
	s0 =	simm.s32 @p1 $0x1  }
0x15: {  	[smem:$0x3FB5] =	sst s0;
	s0 =	simm.s32 @!p2 $0x0  }
0x16: {  	s3 =	sld [smem:$0x3FDB];
	s0 =	simm.s32 @p2 $0x1  }
0x17: {  	s4 =	simm.s32 $0x1BF5;
	[smem:$0x3FB7] =	sst s0  }
0x18: {  	s0 =	sld [smem:$0x3F9A];
	_ =	swait.ge [sflag:s4], $0x0  }
0x19: {  	s7 =	sld [smem:$0x3F9B]  }
0x1a: {  	s8 =	sadd.s32 $0xFFFFE003, lr  }
0x1b: {  	s9 =	sadd.s32 $0xFFFFFEF7, lr;
	s5 =	simm.s32 $0xFFFFFFFF;
	p2 =	slt.u32 s8, $0xFFFFF086  }
0x1c: {  	p1 =	slt.u32 s9, $0xF7A;
	s5 =	simm.s32 @!p2 $0x0  }
0x1d: {  	s5 =	simm.s32 @p1 $0x1;
	p0 =	seq.s32 s7, s2  }
0x1e: {  	s7 =	smul.u32 @!p0 $0xF7A, s2;
	p2 =	seq.s32 @!p0 s5, $0x0  }
0x1f: {  	s9 =	smul.u32 $0xF7A, s1;
	s8 =	simm.s32 @!p0 $0x1BF5;
	p2 =	por !p2, p0  }
0x20: {  	[sflag:s8] =	ssyncset.s32 @!p0 $0xFFFFF086;
	s6 =	sadd.s32 @!p0 s3, s7;
	s7 =	simm.s32 @!p0 $0x108  }
0x21: {  	s3 =	sadd.s32 s3, s9;
	s6 =	sadd.s32 @!p0 $0x88, s6;
	s7 =	simm.s32 @p2 $0x1082  }
0x22: {  	[simem:s7], [sflag:s8] =	dma.local @!p0 [hbm:s6], $0xF7A  }
0x23: {  	s9 =	sor.u32 $0xD0000000, s2;
	s6 =	simm.s32 $0x108;
	_ =	swait.ge @!p0 [sflag:s8], $0x0  }
0x24: {  	s3 =	sadd.s32 $0x88, s3;
	s6 =	simm.s32 @!p1 $0x1082;
	[sflag:s4] =	ssyncset.s32 $0xFFFFF086  }
0x25: {  	[simem:s6], [sflag:s4] =	dma.local [hbm:s3], $0xF7A  }
0x26: {  	[smem:$0x3F9B] =	sst s1;
	(tag) =	ssettag s2;
	_ =	strace s9  }
0x27: {  	s1 =	sld [smem:$0x3FAB]  }
0x28: {  	s2 =	sld [smem:$0x3FAC]  }
0x29: {  	s4 =	sld [smem:$0x3FAE]  }
0x2a: {  	p0 =	seq.s32 s5, $0x0;
	s5 =	sld [smem:$0x3FAF]  }
0x2b: {  	s6 =	sld [smem:$0x3FB0]  }
0x2c: {  	s7 =	sld [smem:$0x3FB1]  }
0x2d: {  	s3 =	simm.s32 $0x108;
	s8 =	sld [smem:$0x3FB2]  }
0x2e: {  	s3 =	simm.s32 @!p0 $0x1082;
	s9 =	sld [smem:$0x3FB3]  }
0x2f: {  	lr =	sadd.s32 s0, s3;
	s0 =	sld [smem:$0x3FAA]  }
0x30: {  	s3 =	sld [smem:$0x3FAD]  }
0x31: {  	[smem:$0x3FB6] =	sst s10  }
0x32: {  	s10 =	sld [smem:$0x3FB4];
	_ =	sdelay $0x3  }
0x33: {  	p0 =	seq.s32 s10, $0x1;
	s10 =	sld [smem:$0x3FB6];
	_ =	sdelay $0x3  }
0x34: {  	[smem:$0x3FB6] =	sst s10  }
0x35: {  	s10 =	sld [smem:$0x3FB5];
	_ =	sdelay $0x3  }
0x36: {  	p1 =	seq.s32 s10, $0x1;
	s10 =	sld [smem:$0x3FB6];
	_ =	sdelay $0x3  }
0x37: {  	[smem:$0x3FB6] =	sst s10  }
0x38: {  	s10 =	sld [smem:$0x3FB7]  }
0x39: {  	_ = 	snop;
	(pc) =	sbr.ind lr, $3  }
0x3a: {  	_ = 	snop  }
0x3b: {  	_ = 	snop  }
0x3c: {  	p2 =	seq.s32 s10, $0x1;
	s10 =	sld [smem:$0x3FB6]  }
0x3d: {  	_ =	shalt  }
0x3e: {  	_ =	shalt  }
0x3f: {  	_ =	shalt  }
0x40: {  	_ =	shalt  }
0x41: {  	_ =	shalt  }
0x42: {  	_ =	shalt  }
0x43: {  	_ =	shalt  }
0x44: {  	_ =	shalt  }
0x45: {  	_ =	shalt  }
0x46: {  	_ =	shalt  }
0x47: {  	_ =	shalt  }
0x48: {  	_ =	shalt  }
0x49: {  	_ =	shalt  }
0x4a: {  	_ =	shalt  }
0x4b: {  	_ =	shalt  }
0x4c: {  	_ =	shalt  }
0x4d: {  	_ =	shalt  }
0x4e: {  	_ =	shalt  }
0x4f: {  	_ =	shalt  }
0x50: {  	_ =	shalt  }
0x51: {  	_ =	shalt  }
0x52: {  	_ =	shalt  }
0x53: {  	_ =	shalt  }
0x54: {  	_ =	shalt  }
0x55: {  	_ =	shalt  }
0x56: {  	_ =	shalt  }
0x57: {  	_ =	shalt  }
0x58: {  	_ =	shalt  }
0x59: {  	_ =	shalt  }
0x5a: {  	_ =	shalt  }
0x5b: {  	_ =	shalt  }
0x5c: {  	_ =	shalt  }
0x5d: {  	_ =	shalt  }
0x5e: {  	_ =	shalt  }
0x5f: {  	_ =	shalt  }
0x60: {  	_ =	shalt  }
0x61: {  	_ =	shalt  }
0x62: {  	_ =	shalt  }
0x63: {  	_ =	shalt  }
0x64: {  	_ =	shalt  }
0x65: {  	_ =	shalt  }
0x66: {  	_ =	shalt  }
0x67: {  	_ =	shalt  }
0x68: {  	_ =	shalt  }
0x69: {  	_ =	shalt  }
0x6a: {  	_ =	shalt  }
0x6b: {  	_ =	shalt  }
0x6c: {  	_ =	shalt  }
0x6d: {  	_ =	shalt  }
0x6e: {  	_ =	shalt  }
0x6f: {  	_ =	shalt  }
0x70: {  	_ =	shalt  }
0x71: {  	_ =	shalt  }
0x72: {  	_ =	shalt  }
0x73: {  	_ =	shalt  }
0x74: {  	_ =	shalt  }
0x75: {  	_ =	shalt  }
0x76: {  	_ =	shalt  }
0x77: {  	_ =	shalt  }
0x78: {  	_ =	shalt  }
0x79: {  	_ =	shalt  }
0x7a: {  	_ =	shalt  }
0x7b: {  	_ =	shalt  }
0x7c: {  	_ =	shalt  }
0x7d: {  	_ =	shalt  }
0x7e: {  	_ =	shalt  }
0x7f: {  	_ =	shalt  }
0x80: {  	_ =	shalt  }
0x81: {  	_ =	shalt  }
0x82: {  	_ =	shalt  }
0x83: {  	_ =	shalt  }
0x84: {  	_ =	shalt  }
0x85: {  	_ =	shalt  }
0x86: {  	_ =	shalt  }
0x87: {  	_ =	shalt  }
.Lfunc_end0:
.L_simem_size_0:
called_computation.1_lowered:
.L_overlay_start_0:
0x88: {  	s2 =	sld [smem:$0x3FD9]  }
0x89: {  	s3 =	sld [smem:$0x3FFE];
	_ =	sdelay $0x1  }
0x8a: {  	s1 =	srdreg.scid  }
0x8b: {  	s0 =	sand.u32 $0x1, s1  }
0x8c: {  	s14 =	sshll.u32 s0, $0xA;
	s2 =	sadd.s32 s3, s2  }
0x8d: {  	s2 =	sadd.s32 s2, s14  }
0x8e: {  	[smem:$0x3FC2] =	sst s2  }
0x8f: {  	_ = 	snop  }
0x90: {  	s2 =	sld [smem:$0x3FD0];
	_ =	sdelay $0x2  }
0x91: {  	s15 =	simm.s32 $0xA;
	s4 =	simm.s32 $0x10  }
0x92: {  	[smem:s4], [sflag:s15] =	dma.local [hbm:s2], $0x1  }
0x93: {  	_ =	swait.eq [sflag:s15], $0x1  }
0x94: {  	[sflag:s15] =	ssyncset.done $0x0  }
0x95: {  	s16 =	sld [smem:$0x10];
	[sflag:s15] =	ssyncadd.s32 $0xFFFFFFFF  }
0x96: {  	s17 =	sld [smem:$0x11];
	(tm) =	ssettm $0x1  }
0x97: {  	s18 =	sld [smem:$0x3FFB];
	_ =	sdelay $0x3  }
0x98: {  	_ =	strace s18  }
0x99: {  	s4 =	sld [smem:$0x3FFC];
	_ =	sdelay $0x3  }
0x9a: {  	_ =	strace s4  }
0x9b: {  	s4 =	sld [smem:$0x3FFD];
	_ =	sdelay $0x3  }
0x9c: {  	_ =	strace s4  }
0x9d: {  	_ =	strace $0x8FFFFFFF  }
0x9e: {  	s19 =	sld [smem:$0x3FDB];
	_ =	sdelay $0x1  }
0x9f: {  	s5 =	simm.s32 $_scs_section_size  }
0xa0: {  	s6 =	simm.s32 $_size__tile_overlayer_lowered;
	s7 =	simm.s32 $_tile_overlayer_lowered  }
0xa1: {  	s22 =	simm.s32 $0x1BFF;
	s21 =	sshll.u32 s7, $0x1;
	s4 =	sadd.s32 s5, s19  }
0xa2: {  	s8 =	simm.s32 $0x0;
	s20 =	sshll.u32 s6, $0x1;
	s6 =	sadd.s32 s21, s4  }
0xa3: {  	[timem:s8], [sflag:s22] =	dma.local [hbm:s6], s20  }
0xa4: {  	_ =	swait.ge [sflag:s22], s20  }
0xa5: {  	s5 =	ssub.s32 $0x0, s20;
	[sflag:s22] =	ssyncset.done $0x0  }
0xa6: {  	[sflag:s22] =	ssyncadd.s32 s5;
	_ =	sdelay $0x1  }
0xa7: {  	s23 =	simm.s32 $0x1B8B  }
0xa8: {  	_ =	swait.ge [sflag:s23], $0x1  }
0xa9: {  	[sflag:s23] =	ssyncset.done $0x0  }
0xaa: {  	s25 =	simm.s32 $0x1B8E;
	s24 =	sld [smem:$0x3FFE];
	[sflag:s23] =	ssyncadd.s32 $0xFFFFFFFF  }
0xab: {  	s26 =	simm.s32 $execute0_lowered;
	[smem:$0x3FD2] =	sst s25  }
0xac: {  	s6 =	sshll.u32 s26, $0x1;
	_ =	strace $0x80000046;
	[dreg:$0x1] =	wrdreg $0xFFFFFFFF  }
0xad: {  	s28 =	simm.s32 $_size_execute0_lowered;
	s4 =	sadd.s32 s4, s6;
	[dreg:$0x0] =	wrdreg $0x0  }
0xae: {  	s6 =	sshll.u32 s28, $0x1;
	[dreg:$0x2] =	wrdreg s4  }
0xaf: {  	[dreg:$0x3] =	wrdreg s6  }
0xb0: {  	[dreg:$0x4] =	wrdreg $0xC0  }
0xb1: {  	_ =	task [dreg:s8], $0x5FFFF  }
0xb2: {  	[dreg:$0x1] =	wrdreg $0xFFFFFFFF  }
0xb3: {  	[dreg:$0x0] =	wrdreg $0x60  }
0xb4: {  	[dreg:$0x2] =	wrdreg s24  }
0xb5: {  	[dreg:$0x3] =	wrdreg s16  }
0xb6: {  	[dreg:$0x4] =	wrdreg s17  }
0xb7: {  	[dreg:$0x5] =	wrdreg $0x9  }
0xb8: {  	_ =	task.clear_ibuf [dreg:s8], $0x6FFFF;
	_ =	strace $0x90000046  }
0xb9: {  	s29 =	simm.s32 $0x9;
	_ =	strace $0x80000048  }
0xba: {  	_ =	swait.ge [sflag:s29], $0x1  }
0xbb: {  	[sflag:s29] =	ssyncadd.s32 $0xFFFFFFFF  }
0xbc: {  	_ =	strace $0x90000048  }
0xbd: {  	_ =	sfence  }
0xbe: {  	s30 =	sld [smem:$0x0];
	_ =	sdelay $0x2  }
0xbf: {  	s31 =	sshll.u32 s1, $0xD;
	s1 =	sshrl.u32 s1, $0x2  }
0xc0: {  	s3 =	sand.u32 $0x4000, s31;
	s1 =	sadd.s32 s1, s30  }
0xc1: {  	s0 =	sor.u32 s3, s0;
	s1 =	sshll.u32 s1, $0x11  }
0xc2: {  	s0 =	sor.u32 s1, s0  }
0xc3: {  	s0 =	sadd.s32 $0x8F2B, s0  }
0xc4: {  	[sflag:s0] =	ssyncadd.remote.s32 $0x1  }
0xc5: {  	_ =	sfence.sel $0xFFFF  }
0xc6: {  	[dreg:$0x0] =	wrdreg $0xFFFFFFFF;
	(pc) =	sbr.abs _section_cstart, $3  }
0xc7: {  	[dreg:$0x1] =	wrdreg $0xFFFFFFFF  }
0xc8: {  	_ =	task.clear_ibuf [dreg:s8], $0x2FFFF;
	_ =	strace $0x9FFFFFFF  }
0xc9: {  	(tm) =	ssettm $0x7FFFFFFF  }
tec
execute0_lowered:
.L_overlay_start_1:
0x0: {  	(tag) =	ssettag $0x1  }
0x1: {  	s0 =	rddreg [dreg:$0x0]  }
0x2: {  	s12 =	rddreg [dreg:$0x1]  }
0x3: {  	s9 =	rddreg [dreg:$0x2];
	s1 =	srdreg.scid  }
0x4: {  	s11 =	stileid.u32;
	s4 =	simm.s32 $0x0;
	s28 =	simm.s32 $0x6400  }
0x5: {  	s30 =	simm.s32 $0x3;
	s31 =	simm.s32 $0x8400;
	s1 =	sand.u32 $0x1, s1  }
0x6: {  	s2 =	sshll.u32 s11, $0x1;
	[smem:$0x7FF] =	sst s4;
	s13 =	sadd.s32 $0x4800, s0  }
0x7: {  	s20 =	sadd.s32 $0x68800, s0;
	s7 =	sadd.s32 $0x2600, s0;
	s6 =	smul.u32 $0x190000, s11  }
0x8: {  	s8 =	smul.u32 $0x32000, s11;
	s22 =	sshll.u32 s11, $0xF;
	s24 =	sshll.u32 s11, $0xC  }
0x9: {  	s11 =	simm.s32 $0x380;
	s2 =	sor.u32 s1, s2;
	s29 =	smul.u32 $0xC8000, s1  }
0xa: {  	_ =	strace $0x80000047;
	s25 =	ssub.s32 $0x2, s1;
	s15 =	smul.u32 $0x19000, s1  }
0xb: {  	s23 =	sshll.u32 s1, $0xE;
	s1 =	sshll.u32 s1, $0xB;
	s3 =	smul.u32 $0x19000, s2  }
0xc: {  	s5 =	sshrl.u32 s25, $0x1;
	s14 =	sshll.u32 s2, $0xE;
	s2 =	sshll.u32 s2, $0xB  }
0xd: {  	[dreg:$0x4] =	wrdreg s13;
	s0 =	ssub.s32 s25, s5;
	s10 =	sadd.s32 $0xFFFE7400, s2  }
0xe: {  	s17 =	sadd.s32 s29, s6;
	s19 =	sadd.s32 s15, s8;
	s25 =	sor.u32 s1, s24  }
0xf: {  	s24 =	simm.s32 $0x100;
	s1 =	simm.s32 $0xA400;
	s8 =	simm.s32 $0xC400  }
0x10: {  	s15 =	simm.s32 $0x6;
	s3 =	sshrl.u32 s3, $0x3;
	s0 =	smax.u32 s0, $0x1  }
0x11: {  	[dreg:$0x8] =	wrdreg s17;
	s18 =	sadd.s32 s12, s17;
	s21 =	sor.u32 $0x400, s19  }
0x12: {  	s19 =	simm.s32 $0x200;
	s17 =	simm.s32 $0x4;
	[dreg:$0x9] =	wrdreg s0  }
0x13: {  	s26 =	sadd.s32 s13, s3;
	[dreg:$0xa] =	wrdreg s18;
	s0 =	sor.u32 s23, s22  }
0x14: {  	[dreg:$0xb] =	wrdreg s21;
	s22 =	simm.s32 $0x400;
	s23 =	simm.s32 $0x2400  }
0x15: {  	s18 =	simm.s32 $0x5;
	s3 =	simm.s32 $0x0;
	[dreg:$0x5] =	wrdreg s26  }
0x16: {  	s5 =	sadd.s32 $0x40, s26;
	s26 =	sshrl.u32 s21, $0x3;
	s21 =	simm.s32 $0x80  }
.Ltmp0:
0x17: {  	[dreg:$0x6] =	wrdreg s5;
	s5 =	sadd.s32 s14, s9;
	(pc) =	sbr.rel .LBB2_1-.Ltmp0, $4  }
0x18: {  	s29 =	sadd.s32 s26, s13;
	s26 =	simm.s32 $0x180;
	s9 =	simm.s32 $0x300  }
0x19: {  	s13 =	simm.s32 $0xE400;
	s16 =	sadd.s32 $0x3000, s5;
	[dreg:$0xd] =	wrdreg s29  }
0x1a: {  	[dreg:$0x7] =	wrdreg s16;
	s16 =	sadd.s32 $0x1FF38000, s0;
	s0 =	sadd.s32 $0xFFFE7400, s25  }
0x1b: {  	s25 =	simm.s32 $0x4400;
	[dreg:$0xc] =	wrdreg s0;
	s0 =	simm.s32 $0x280  }
.LBB2_16:
0x1c: {  	_ =	swait.ge [sflag:s17], $0x2000  }
0x1d: {  	[sflag:s17] =	ssyncset.done $0x0  }
0x1e: {  	[sflag:s17] =	ssyncadd.s32 $0xFFFFE000  }
0x1f: {  	_ =	swait.ge [sflag:s17], $0x2000  }
0x20: {  	[sflag:s17] =	ssyncset.done $0x0  }
0x21: {  	[sflag:s17] =	ssyncadd.s32 $0xFFFFE000  }
0x22: {  	_ =	swait.ge [sflag:s17], $0x2000  }
0x23: {  	[sflag:s17] =	ssyncset.done $0x0  }
0x24: {  	[sflag:s17] =	ssyncadd.s32 $0xFFFFE000  }
0x25: {  	_ =	swait.ge [sflag:s17], $0x2000  }
0x26: {  	[sflag:s17] =	ssyncset.done $0x0  }
0x27: {  	s2 =	rddreg [dreg:$0x7];
	[sflag:s17] =	ssyncadd.s32 $0xFFFFE000  }
0x28: {  	[hbm4b:s2+s4] =	stream.linear.scatter [tilespmem:s31], [sflag:$0x6], $0x8000, $0x38;
	[tilespmem:$0x10400] =	vst v63  }
0x29: {  	_ =	swait.ge [sflag:s18], $0x8000  }
0x2a: {  	[sflag:s18] =	ssyncset.done $0x0  }
0x2b: {  	[sflag:s18] =	ssyncadd.s32 $0xFFFF8000  }
0x2c: {  	_ =	swait.ge [sflag:s15], $0x8000  }
0x2d: {  	s3 =	rddreg [dreg:$0xe]  }
0x2e: {  	s29 =	rddreg [dreg:$0x9];
	s3 =	sadd.s32 $0x1, s3  }
0x2f: {  	p0 =	sne.s32 s3, s29  }
.Ltmp1:
0x30: {  	_ = 	snop;
	(pc) =	sbr.rel @!p0 .LBB2_17-.Ltmp1, $3  }
0x31: {  	_ =	sdelay $0x1  }
0x32: {  	[sflag:s15] =	ssyncset.done $0x0  }
0x33: {  	[sflag:s15] =	ssyncadd.s32 $0xFFFF8000  }
.LBB2_1:
0x34: {  	[dreg:$0xe] =	wrdreg s3  }
0x35: {  	s2 =	rddreg [dreg:$0x5]  }
0x36: {  	[tilespmem:s4], [sflag:$0x1] =	stream.linear.gather [hbm4b:s2+s4], $0x200, $0x38;
	[tilespmem:$0x10400] =	vst v63  }
0x37: {  	s6 =	rddreg [dreg:$0x6];
	s12 =	simm.s32 $0x1  }
0x38: {  	[tilespmem:s19], [sflag:$0x2] =	stream.linear.gather [hbm4b:s6+s4], $0x200, $0x38;
	[tilespmem:$0x10400] =	vst v63  }
0x39: {  	_ =	swait.ge [sflag:s12], $0x200  }
0x3a: {  	[sflag:s12] =	ssyncset.done $0x0  }
0x3b: {  	[sflag:s12] =	ssyncadd.s32 $0xFFFFFE00  }
0x3c: {  	[tilespmem:s22], [sflag:$0x3] =	stream.indirect.gather [hbm4b:s7+s21], $0x40, s4, s21, $0xb8;
	[tilespmem:$0x10400] =	vst v63  }
0x3d: {  	_ = 	snop  }
0x3e: {  	[tilespmem:s23], [sflag:$0x3] =	stream.indirect.gather [hbm4b:s7+s21], $0x40, s21, s21, $0xb8;
	[tilespmem:$0x10400] =	vst v63  }
0x3f: {  	_ = 	snop  }
0x40: {  	[tilespmem:s25], [sflag:$0x3] =	stream.indirect.gather [hbm4b:s7+s21], $0x40, s24, s21, $0xb8;
	[tilespmem:$0x10400] =	vst v63  }
0x41: {  	_ = 	snop  }
0x42: {  	[tilespmem:s28], [sflag:$0x3] =	stream.indirect.gather [hbm4b:s7+s21], $0x40, s26, s21, $0xb8;
	[tilespmem:$0x10400] =	vst v63  }
.Ltmp2:
0x43: {  	s14 =	simm.s32 $0x2;
	(pc) =	sbr.rel .LBB2_2-.Ltmp2, $4  }
0x44: {  	_ =	swait.ge [sflag:s14], $0x200  }
0x45: {  	s29 =	rddreg [dreg:$0xd]  }
0x46: {  	s5 =	simm.s32 $0x0;
	[sflag:s14] =	ssyncset.done $0x0;
	s2 =	rddreg [dreg:$0xc]  }
0x47: {  	s12 =	simm.s32 $0x0;
	s3 =	rddreg [dreg:$0xb];
	[sflag:s14] =	ssyncadd.s32 $0xFFFFFE00  }
.LBB2_11:
0x48: {  	s6 =	sadd.s32 s5, s16  }
0x49: {  	s14 =	rddreg [dreg:$0x2];
	s6 =	sand.u32 $0x1FFFF000, s6  }
0x4a: {  	s6 =	sadd.s32 s14, s6  }
0x4b: {  	[hbm4b:s6+s4] =	stream.linear.scatter [tilespmem:s31], [sflag:$0x6], $0x8000, $0x38;
	[tilespmem:$0x10400] =	vst v63  }
.LBB2_13:
0x4c: {  	s6 =	sshll.u32 s12, $0x9  }
0x4d: {  	s14 =	sadd.s32 s10, s6;
	s6 =	smov.u32 s20  }
.LBB2_14:
0x4e: {  	s14 =	sshrl.u32 s14, $0x3  }
0x4f: {  	s6 =	sadd.s32 s6, s14  }
0x50: {  	[tilespmem:s19], [sflag:$0x2] =	stream.linear.gather [hbm4b:s6+s4], $0x200, $0x38;
	[tilespmem:$0x10400] =	vst v63  }
0x51: {  	_ =	swait.ge [sflag:s18], $0x8000  }
0x52: {  	[sflag:s18] =	ssyncset.done $0x0  }
0x53: {  	[sflag:s18] =	ssyncadd.s32 $0xFFFF8000  }
0x54: {  	[tilespmem:s22], [sflag:$0x3] =	stream.indirect.gather [hbm4b:s7+s21], $0x40, s4, s21, $0xb8;
	[tilespmem:$0x10400] =	vst v63  }
0x55: {  	_ = 	snop  }
0x56: {  	[tilespmem:s23], [sflag:$0x3] =	stream.indirect.gather [hbm4b:s7+s21], $0x40, s21, s21, $0xb8;
	[tilespmem:$0x10400] =	vst v63  }
0x57: {  	_ = 	snop  }
0x58: {  	[tilespmem:s25], [sflag:$0x3] =	stream.indirect.gather [hbm4b:s7+s21], $0x40, s24, s21, $0xb8;
	[tilespmem:$0x10400] =	vst v63  }
0x59: {  	_ = 	snop  }
0x5a: {  	[tilespmem:s28], [sflag:$0x3] =	stream.indirect.gather [hbm4b:s7+s21], $0x40, s26, s21, $0xb8;
	[tilespmem:$0x10400] =	vst v63  }
.LBB2_15:
0x5b: {  	s5 =	sadd.s32 $0x1000, s5  }
0x5c: {  	p0 =	sne.s32 s5, $0xCB000  }
.Ltmp3:
0x5d: {  	_ = 	snop;
	(pc) =	sbr.rel @!p0 .LBB2_16-.Ltmp3, $3  }
0x5e: {  	_ =	sdelay $0x1  }
0x5f: {  	s12 =	sadd.s32 $0x1, s12  }
0x60: {  	s3 =	sadd.s32 $0x200, s3;
	s2 =	sadd.s32 $0x200, s2;
	s29 =	sadd.s32 $0x40, s29  }
.LBB2_2:
0x61: {  	s6 =	sand.u32 $0x1, s12  }
0x62: {  	p1 =	seq.s32 s6, $0x1  }
.Ltmp4:
0x63: {  	_ = 	snop;
	(pc) =	sbr.rel @p1 .LBB2_10-.Ltmp4, $2  }
0x64: {  	_ =	sdelay $0x2  }
0x65: {  	p0 =	slt.u32 s12, $0xC8  }
0x66: {  	_ =	swait.ge [sflag:s30], $0x2000  }
0x67: {  	[sflag:s30] =	ssyncset.done $0x0  }
0x68: {  	[sflag:s30] =	ssyncadd.s32 $0xFFFFE000  }
0x69: {  	_ =	swait.ge [sflag:s30], $0x2000  }
0x6a: {  	[sflag:s30] =	ssyncset.done $0x0  }
0x6b: {  	[sflag:s30] =	ssyncadd.s32 $0xFFFFE000  }
0x6c: {  	_ =	swait.ge [sflag:s30], $0x2000  }
.Ltmp5:
0x6d: {  	[sflag:s30] =	ssyncset.done $0x0;
	(pc) =	sbr.rel @!p0 .LBB2_4-.Ltmp5, $4  }
0x6e: {  	[sflag:s30] =	ssyncadd.s32 $0xFFFFE000  }
0x6f: {  	_ =	swait.ge [sflag:s30], $0x2000  }
0x70: {  	[sflag:s30] =	ssyncset.done $0x0  }
0x71: {  	[sflag:s30] =	ssyncadd.s32 $0xFFFFE000  }
0x72: {  	p0 =	slt.u32 s12, $0xC6  }
.Ltmp6:
0x73: {  	s6 =	rddreg [dreg:$0x8];
	(pc) =	sbr.rel @!p0 .LBB2_6-.Ltmp6, $4  }
0x74: {  	s6 =	sadd.s32 s5, s6  }
0x75: {  	s14 =	rddreg [dreg:$0x1];
	s6 =	sand.u32 $0x1FFFE000, s6  }
0x76: {  	s6 =	sadd.s32 s14, s6  }
0x77: {  	[hbm4b:s6+s4] =	stream.linear.scatter [tilespmem:s22], [sflag:$0x5], $0x8000, $0x38;
	[tilespmem:$0x10400] =	vst v63  }
0x78: {  	p0 =	seq.s32 s5, $0x0  }
.Ltmp7:
0x79: {  	_ = 	snop;
	(pc) =	sbr.rel @!p0 .LBB2_8-.Ltmp7, $4  }
.Ltmp8:
0x7a: {  	_ = 	snop;
	(pc) =	sbr.rel @p0 .LBB2_9-.Ltmp8, $4  }
0x7b: {  	_ = 	snop  }
0x7c: {  	_ = 	snop  }
0x7d: {  	[tilespmem:s4], [sflag:$0x1] =	stream.linear.gather [hbm4b:s29+s4], $0x200, $0x38;
	[tilespmem:$0x10400] =	vst v63  }
0x7e: {  	_ = 	snop  }
.LBB2_10:
0x7f: {  	_ =	swait.ge [sflag:s17], $0x2000  }
0x80: {  	[sflag:s17] =	ssyncset.done $0x0  }
0x81: {  	[sflag:s17] =	ssyncadd.s32 $0xFFFFE000  }
0x82: {  	_ =	swait.ge [sflag:s17], $0x2000  }
0x83: {  	[sflag:s17] =	ssyncset.done $0x0  }
0x84: {  	[sflag:s17] =	ssyncadd.s32 $0xFFFFE000  }
0x85: {  	_ =	swait.ge [sflag:s17], $0x2000  }
.Ltmp9:
0x86: {  	[sflag:s17] =	ssyncset.done $0x0;
	(pc) =	sbr.rel @!p0 .LBB2_11-.Ltmp9, $4  }
0x87: {  	[sflag:s17] =	ssyncadd.s32 $0xFFFFE000  }
0x88: {  	_ =	swait.ge [sflag:s17], $0x2000  }
0x89: {  	[sflag:s17] =	ssyncset.done $0x0  }
0x8a: {  	[sflag:s17] =	ssyncadd.s32 $0xFFFFE000  }
0x8b: {  	p0 =	slt.u32 s12, $0xC6  }
.Ltmp10:
0x8c: {  	_ = 	snop;
	(pc) =	sbr.rel @p0 .LBB2_14-.Ltmp10, $4  }
.Ltmp11:
0x8d: {  	s6 =	rddreg [dreg:$0xa];
	(pc) =	sbr.rel @!p0 .LBB2_13-.Ltmp11, $4  }
0x8e: {  	s6 =	sadd.s32 s5, s6  }
0x8f: {  	[hbm4b:s6+s4] =	stream.linear.scatter [tilespmem:s31], [sflag:$0x6], $0x8000, $0x38;
	[tilespmem:$0x10400] =	vst v63  }
0x90: {  	s14 =	smov.u32 s3;
	s6 =	rddreg [dreg:$0x4]  }
0x91: {  	_ = 	snop  }
.LBB2_4:
0x92: {  	p0 =	seq.s32 s5, $0xCA000  }
.Ltmp12:
0x93: {  	_ = 	snop;
	(pc) =	sbr.rel @p0 .LBB2_8-.Ltmp12, $4  }
0x94: {  	s6 =	sadd.s32 s5, s16  }
0x95: {  	s14 =	rddreg [dreg:$0x2];
	s6 =	sand.u32 $0x1FFFE000, s6  }
0x96: {  	s6 =	sadd.s32 s14, s6  }
0x97: {  	[hbm4b:s6+s4] =	stream.linear.scatter [tilespmem:s22], [sflag:$0x5], $0x8000, $0x38;
	[tilespmem:$0x10400] =	vst v63  }
.LBB2_6:
0x98: {  	s6 =	sshrl.u32 s2, $0x3  }
0x99: {  	s6 =	sadd.s32 s20, s6  }
0x9a: {  	[tilespmem:s4], [sflag:$0x1] =	stream.linear.gather [hbm4b:s6+s4], $0x200, $0x38;
	[tilespmem:$0x10400] =	vst v63  }
.LBB2_8:
0x9b: {  	_ =	swait.ge [sflag:s15], $0x8000  }
0x9c: {  	[sflag:s15] =	ssyncset.done $0x0  }
0x9d: {  	[sflag:s15] =	ssyncadd.s32 $0xFFFF8000  }
.LBB2_9:
0x9e: {  	[tilespmem:s31], [sflag:$0x4] =	stream.indirect.gather [hbm4b:s7+s21], $0x40, s19, s21, $0xb8;
	[tilespmem:$0x10400] =	vst v63  }
0x9f: {  	_ = 	snop  }
0xa0: {  	[tilespmem:s1], [sflag:$0x4] =	stream.indirect.gather [hbm4b:s7+s21], $0x40, s0, s21, $0xb8;
	[tilespmem:$0x10400] =	vst v63  }
.Ltmp13:
0xa1: {  	_ = 	snop;
	(pc) =	sbr.rel .LBB2_15-.Ltmp13, $4  }
0xa2: {  	_ = 	snop  }
0xa3: {  	[tilespmem:s8], [sflag:$0x4] =	stream.indirect.gather [hbm4b:s7+s21], $0x40, s9, s21, $0xb8;
	[tilespmem:$0x10400] =	vst v63  }
0xa4: {  	_ = 	snop  }
0xa5: {  	[tilespmem:s13], [sflag:$0x4] =	stream.indirect.gather [hbm4b:s7+s21], $0x40, s11, s21, $0xb8;
	[tilespmem:$0x10400] =	vst v63  }
.LBB2_17:
0xa6: {  	_ =	sfence.sel $0x180000  }
0xa7: {  	[bflag:$0x0] =	sbarrier.arrive $0xFFFF  }
0xa8: {  	_ =	strace $0x90000047  }
0xa9: {  	s0 =	stileid.u32;
	[bflag:$0x2] =	sbarrier.arrive $0xFFFF  }
0xaa: {  	p0 =	sne.s32 s0, $0x0;
	s0 =	rddreg [dreg:$0x3]  }
0xab: {  	s0 =	sadd.s32 @!p0 $0x100000, s0  }
0xac: {  	[sflag:s0] =	ssyncadd.tile.s32 @!p0 $0x1;
	_ =	shalt  }
.Lfunc_end2:
_tile_overlayer_lowered:
.L_overlay_start_2:
0xad: {  	(tag) =	ssettag $0x2  }
0xae: {  	s0 =	rddreg [dreg:$0x0];
	s2 =	stileid.u32  }
0xaf: {  	s1 =	rddreg [dreg:$0x1];
	p0 =	sne.s32 s2, $0x0  }
0xb0: {  	s3 =	rddreg [dreg:$0x2];
	[bflag:$0x3] =	sbarrier.arrive $0xFFFF;
	s2 =	simm.s32 @!p0 $0x1C07  }
0xb1: {  	[timem:s3], [sflag:s2] =	dma.local @!p0 [hbm:s0], s1  }
0xb2: {  	s0 =	simm.s32 @!p0 $0x7  }
0xb3: {  	_ =	swait.ge @!p0 [sflag:s0], s1  }
0xb4: {  	s1 =	ssub.s32 @!p0 $0x0, s1;
	[sflag:s0] =	ssyncset.done @!p0 $0x0  }
0xb5: {  	[sflag:s0] =	ssyncadd.s32 @!p0 s1  }
0xb6: {  	[bflag:$0x3] =	sbarrier.arrive $0xFFFF  }
0xb7: {  	_ =	shalt  }

// kernel: sparse-core-data-format-call.cloned.1.call-start
scs
called_computation_lowered:
.L_overlay_start_0:
0x0: {  	s2 =	sld [smem:$0x3FD9]  }
0x1: {  	s3 =	sld [smem:$0x3FFE];
	_ =	sdelay $0x1  }
0x2: {  	s1 =	srdreg.scid  }
0x3: {  	s0 =	sand.u32 $0x1, s1  }
0x4: {  	s15 =	sshll.u32 s0, $0xA;
	s2 =	sadd.s32 s3, s2  }
0x5: {  	s2 =	sadd.s32 s2, s15  }
0x6: {  	[smem:$0x3FC2] =	sst s2  }
0x7: {  	_ = 	snop  }
0x8: {  	s2 =	sld [smem:$0x3FD0];
	_ =	sdelay $0x2  }
0x9: {  	s16 =	simm.s32 $0xA;
	s4 =	simm.s32 $0x10  }
0xa: {  	[smem:s4], [sflag:s16] =	dma.local [hbm:s2], $0x1  }
0xb: {  	_ =	swait.eq [sflag:s16], $0x1  }
0xc: {  	[sflag:s16] =	ssyncset.done $0x0  }
0xd: {  	[sflag:s16] =	ssyncadd.s32 $0xFFFFFFFF  }
0xe: {  	s17 =	sld [smem:$0x10];
	(tm) =	ssettm $0x1  }
0xf: {  	s18 =	sld [smem:$0x3FFB];
	_ =	sdelay $0x3  }
0x10: {  	_ =	strace s18  }
0x11: {  	s3 =	sld [smem:$0x3FFC];
	_ =	sdelay $0x3  }
0x12: {  	_ =	strace s3  }
0x13: {  	s3 =	sld [smem:$0x3FFD];
	_ =	sdelay $0x3  }
0x14: {  	_ =	strace s3  }
0x15: {  	_ =	strace $0x8FFFFFFF  }
0x16: {  	s19 =	sld [smem:$0x3FDB];
	_ =	sdelay $0x1  }
0x17: {  	s20 =	simm.s32 $_scs_section_size  }
0x18: {  	s5 =	simm.s32 $_size__tile_overlayer_lowered;
	s6 =	simm.s32 $_tile_overlayer_lowered  }
0x19: {  	s23 =	simm.s32 $0x1BFF;
	s22 =	sshll.u32 s6, $0x1;
	s3 =	sadd.s32 s20, s19  }
0x1a: {  	s7 =	simm.s32 $0x0;
	s21 =	sshll.u32 s5, $0x1;
	s5 =	sadd.s32 s22, s3  }
0x1b: {  	[timem:s7], [sflag:s23] =	dma.local [hbm:s5], s21  }
0x1c: {  	_ =	swait.ge [sflag:s23], s21  }
0x1d: {  	s4 =	ssub.s32 $0x0, s21;
	[sflag:s23] =	ssyncset.done $0x0  }
0x1e: {  	[sflag:s23] =	ssyncadd.s32 s4;
	_ =	sdelay $0x1  }
0x1f: {  	s24 =	simm.s32 $0x1B8B  }
0x20: {  	_ =	swait.ge [sflag:s24], $0x1  }
0x21: {  	[sflag:s24] =	ssyncset.done $0x0  }
0x22: {  	s26 =	simm.s32 $0x1B8E;
	s25 =	sld [smem:$0x3FFE];
	[sflag:s24] =	ssyncadd.s32 $0xFFFFFFFF  }
0x23: {  	s27 =	simm.s32 $execute0_lowered;
	[smem:$0x3FD2] =	sst s26  }
0x24: {  	s5 =	sshll.u32 s27, $0x1;
	_ =	strace $0x80000049;
	[dreg:$0x1] =	wrdreg $0xFFFFFFFF  }
0x25: {  	s28 =	simm.s32 $_size_execute0_lowered;
	s3 =	sadd.s32 s3, s5;
	[dreg:$0x0] =	wrdreg $0x0  }
0x26: {  	s5 =	sshll.u32 s28, $0x1;
	[dreg:$0x2] =	wrdreg s3  }
0x27: {  	[dreg:$0x3] =	wrdreg s5  }
0x28: {  	[dreg:$0x4] =	wrdreg $0xC0  }
0x29: {  	_ =	task [dreg:s7], $0x5FFFF  }
0x2a: {  	[dreg:$0x1] =	wrdreg $0xFFFFFFFF  }
0x2b: {  	[dreg:$0x0] =	wrdreg $0x60  }
0x2c: {  	[dreg:$0x2] =	wrdreg s25  }
0x2d: {  	[dreg:$0x3] =	wrdreg s17  }
0x2e: {  	[dreg:$0x4] =	wrdreg $0x9  }
0x2f: {  	_ =	task.clear_ibuf [dreg:s7], $0x5FFFF;
	_ =	strace $0x90000049  }
0x30: {  	s29 =	simm.s32 $0x9;
	_ =	strace $0x8000004B  }
0x31: {  	_ =	swait.ge [sflag:s29], $0x1  }
0x32: {  	[sflag:s29] =	ssyncadd.s32 $0xFFFFFFFF  }
0x33: {  	_ =	strace $0x9000004B  }
0x34: {  	_ =	sfence  }
0x35: {  	s30 =	sld [smem:$0x0];
	_ =	sdelay $0x2  }
0x36: {  	s31 =	sshll.u32 s1, $0xD;
	s1 =	sshrl.u32 s1, $0x2  }
0x37: {  	s3 =	sand.u32 $0x4000, s31;
	s1 =	sadd.s32 s1, s30  }
0x38: {  	s0 =	sor.u32 s3, s0;
	s1 =	sshll.u32 s1, $0x11  }
0x39: {  	s0 =	sor.u32 s1, s0  }
0x3a: {  	s0 =	sadd.s32 $0x8F2B, s0  }
0x3b: {  	[sflag:s0] =	ssyncadd.remote.s32 $0x1  }
0x3c: {  	_ =	sfence.sel $0xFFFF  }
0x3d: {  	[dreg:$0x0] =	wrdreg $0xFFFFFFFF;
	(pc) =	sbr.abs _section_cstart, $3  }
0x3e: {  	[dreg:$0x1] =	wrdreg $0xFFFFFFFF  }
0x3f: {  	_ =	task.clear_ibuf [dreg:s7], $0x2FFFF;
	_ =	strace $0x9FFFFFFF  }
0x40: {  	(tm) =	ssettm $0x7FFFFFFF  }
0x41: {  	_ =	shalt  }
tec
execute0_lowered:
.L_overlay_start_1:
0x0: {  	(tag) =	ssettag $0x1  }
0x1: {  	s0 =	srdreg.scid  }
0x2: {  	s1 =	sshll.u32 s0, $0x4  }
0x3: {  	s0 =	stileid.u32;
	s1 =	sand.u32 $0x10, s1  }
0x4: {  	s1 =	sor.u32 s0, s1  }
0x5: {  	s6 =	rddreg [dreg:$0x0];
	s4 =	simm.s32 $0x1;
	s2 =	sshll.u32 s1, $0x7  }
0x6: {  	s7 =	simm.s32 $0x2;
	s12 =	simm.s32 $0x0;
	s1 =	ssub.s32 $0x4000, s2  }
0x7: {  	s8 =	simm.s32 $0x20000;
	s13 =	simm.s32 $0x0;
	s3 =	sand.u32 $0xF80, s1  }
0x8: {  	s9 =	simm.s32 $0x0;
	s5 =	sshrl.u32 s1, $0xC;
	p0 =	sne.s32 s3, $0x0  }
.Ltmp0:
0x9: {  	s1 =	rddreg [dreg:$0x2];
	s4 =	simm.s32 @!p0 $0x0;
	(pc) =	sbr.rel .LBB1_1-.Ltmp0, $4  }
0xa: {  	s11 =	simm.s32 $0x0;
	s3 =	rddreg [dreg:$0x1];
	s5 =	sadd.s32 s4, s5  }
0xb: {  	_ =	strace $0x8000004A;
	s4 =	simm.s32 $0x1;
	s5 =	smul.u32 $0xC8, s5  }
0xc: {  	s6 =	sadd.s32 $0x2600, s6;
	s10 =	smov.u32 s2;
	[sflag:s4] =	ssyncpa.u1 $0x0  }
0xd: {  	p0 =	por $0x0, $0x0;
	[sflag:s7] =	ssyncpa.u1 $0x0;
	s7 =	sor.u32 $0x1, s5  }
.LBB1_4:
0xe: {  	s16 =	sshll.u32 s13, $0x3;
	s17 =	sand.u32 $0x78, s13  }
0xf: {  	s30 =	sand.u32 $0x1F800, s13;
	s12 =	sshll.u32 s12, $0x11;
	s16 =	sand.u32 $0x3C00, s16  }
0x10: {  	[tilespmem:s15+$0x810 ss:$0x81] =	vst.msk $0xffff, v2;
	s31 =	sand.u32 $0x7, s13;
	s16 =	sor.u32 s17, s16;
	s17 =	sadd.s32 s3, s30  }
0x11: {  	[tilespmem:s15+$0x1020 ss:$0x81] =	vst.msk $0xffff, v0;
	s13 =	sshll.u32 s31, $0x12;
	s12 =	sadd.s32 s12, s17;
	s16 =	sshrl.u32 s16, $0x3  }
0x12: {  	[tilespmem:s15+$0x0 ss:$0x81] =	vst.msk $0xffff, v1;
	s13 =	sor.u32 $0x400, s13;
	s12 =	sadd.s32 s16, s12  }
0x13: {  	[hbm4b:s12+s13] =	stream.strided.scatter [tilespmem:s14], [sflag:$0x2], $0x2000, s8, s13, $0x20;
	[tilespmem:$0x8080] =	vst v63  }
.LBB1_5:
0x14: {  	s14 =	sadd.s32 $0x1, s9  }
0x15: {  	s12 =	sadd.s32 $0x1000, s10;
	s16 =	smov.u32 s10;
	p2 =	sgt.s32 s14, $0xC7  }
0x16: {  	s16 =	smov.u32 @p2 s12  }
0x17: {  	s14 =	simm.s32 @p2 $0x0;
	p2 =	sgt.s32 s16, $0x3FFF  }
0x18: {  	s16 =	smov.u32 @p2 s2;
	p2 =	sne.s32 s11, s7  }
.Ltmp1:
0x19: {  	p1 =	slt.u32 s11, $0x2;
	(pc) =	sbr.rel @!p2 .LBB1_6-.Ltmp1, $4  }
0x1a: {  	s15 =	simm.s32 @!p1 $0x2  }
0x1b: {  	s13 =	smov.u32 s10;
	p0 =	por !p0, !p0;
	_ =	swait.ge @!p1 [sflag:s15], $0x2000  }
0x1c: {  	s12 =	smov.u32 s9;
	[sflag:s15] =	ssyncset.done @!p1 $0x0;
	s9 =	smov.u32 s14  }
0x1d: {  	s11 =	sadd.s32 $0x1, s11;
	[sflag:s15] =	ssyncadd.s32 @!p1 $0xFFFFE000;
	s10 =	smov.u32 s16  }
.LBB1_1:
0x1e: {  	p1 =	sge.u32 s11, s5  }
0x1f: {  	s14 =	sand.u32 @!p1 $0x1FFFFFF, s9  }
0x20: {  	s15 =	smulhi.u32 @!p1 $0x147AE15, s14;
	_ =	sdelay $0x1  }
0x21: {  	s15 =	smul.u32 @!p1 $0xC8, s15  }
0x22: {  	s16 =	sxor.u32 @!p1 $0xFFFFFFFF, s11;
	s17 =	smul.u32 @!p1 $0xC80, s10  }
0x23: {  	s31 =	sadd.s32 $0xFFFFFFFF, s11;
	s16 =	sshll.u32 @!p1 s16, $0xD;
	s14 =	ssub.s32 @!p1 s14, s15  }
0x24: {  	s15 =	sand.u32 @!p1 $0x2000, s16;
	s16 =	sadd.s32 @!p1 s6, s17;
	s14 =	sshll.u32 @!p1 s14, $0x4  }
0x25: {  	s17 =	simm.s32 @!p1 $0x6400;
	s14 =	sadd.s32 @!p1 s14, s16;
	s16 =	simm.s32 @!p1 $0x40  }
0x26: {  	[tilespmem:s15], [sflag:$0x1] =	stream.strided.gather @!p1 [hbm4b:s14+s16], $0x2000, s17, s16, $0x38;
	[tilespmem:$0x8080] =	vst v63  }
0x27: {  	p1 =	sge.u32 s31, s5  }
.Ltmp2:
0x28: {  	_ = 	snop;
	(pc) =	sbr.rel @p1 .LBB1_5-.Ltmp2, $1  }
0x29: {  	_ =	sdelay $0x3  }
0x2a: {  	s14 =	simm.s32 $0x1  }
0x2b: {  	_ =	swait.ge [sflag:s4], $0x2000;
	s14 =	simm.s32 @!p0 $0x0  }
0x2c: {  	[sflag:s4] =	ssyncset.done $0x0;
	s15 =	sshll.u32 s14, $0xD  }
0x2d: {  	[sflag:s4] =	ssyncadd.s32 $0xFFFFE000;
	s18 =	sor.u32 $0x20, s15  }
0x2e: {  	s14 =	smul.u32 $0x8100, s14;
	v3 =	vld [tilespmem:s18+$0x10]  }
0x2f: {  	s30 =	sand.u32 $0x1, s11;
	v2 =	vld [tilespmem:s18+$0xFFFFFFF0]  }
0x30: {  	s15 =	smul.u32 $0x8100, s30;
	s14 =	sshrl.u32 s14, $0x2;
	v0 =	vld [tilespmem:s18+$0x0]  }
0x31: {  	v1 =	vld [tilespmem:s18+$0xFFFFFFE0];
	s16 =	sor.u32 $0x4000, s14  }
0x32: {  	s31 =	sshrl.u32 s15, $0x2;
	s15 =	sadd.s32 $0x0, s16  }
0x33: {  	s17 =	simm.s32 $0x4;
	s18 =	sadd.s32 $0x40, s18;
	s14 =	sor.u32 $0x4000, s31;
	[tilespmem:s15+$0x1830 ss:$0x81] =	vst.msk $0xffff, v3  }
.LBB1_3:
0x34: {  	v3 =	vld [tilespmem:s18+$0x10];
	p1 =	sne.s32 s17, $0x1FC;
	[tilespmem:s15+$0x810 ss:$0x81] =	vst.msk $0xffff, v2;
	s19 =	smov.u32 s17;
	s17 =	sadd.s32 $0x4, s17  }
.Ltmp3:
0x35: {  	v2 =	vld [tilespmem:s18+$0xFFFFFFF0];
	[tilespmem:s15+$0x1020 ss:$0x81] =	vst.msk $0xffff, v0;
	(pc) =	sbr.rel @p1 .LBB1_3-.Ltmp3, $4  }
0x36: {  	v0 =	vld [tilespmem:s18+$0x0];
	[tilespmem:s15+$0x0 ss:$0x81] =	vst.msk $0xffff, v1  }
0x37: {  	s15 =	sshra.s32 s19, $0x2;
	v1 =	vld [tilespmem:s18+$0xFFFFFFE0]  }
0x38: {  	s15 =	sadd.s32 s15, s16  }
0x39: {  	s18 =	sadd.s32 $0x40, s18;
	[tilespmem:s15+$0x1830 ss:$0x81] =	vst.msk $0xffff, v3  }
.Ltmp4:
0x3a: {  	_ = 	snop;
	(pc) =	sbr.rel .LBB1_4-.Ltmp4, $1  }
0x3b: {  	_ =	sdelay $0x3  }
.LBB1_6:
0x3c: {  	_ =	sfence.sel $0x180000  }
0x3d: {  	s2 =	simm.s32 $0x1;
	[bflag:$0x0] =	sbarrier.arrive $0xFFFF  }
0x3e: {  	s31 =	simm.s32 $0x2;
	[sflag:s2] =	ssyncpa.u1 $0x1  }
0x3f: {  	[sflag:s31] =	ssyncpa.u1 $0x1  }
0x40: {  	p0 =	sne.s32 s0, $0x0;
	_ =	strace $0x9000004A  }
0x41: {  	s0 =	sadd.s32 @!p0 $0x100000, s1;
	[bflag:$0x2] =	sbarrier.arrive $0xFFFF  }
0x42: {  	[sflag:s0] =	ssyncadd.tile.s32 @!p0 $0x1;
	_ =	shalt  }
.Lfunc_end1:
_tile_overlayer_lowered:
.L_overlay_start_2:
0x43: {  	(tag) =	ssettag $0x2  }
0x44: {  	s0 =	rddreg [dreg:$0x0];
	s2 =	stileid.u32  }
0x45: {  	s1 =	rddreg [dreg:$0x1];
	p0 =	sne.s32 s2, $0x0  }
0x46: {  	s3 =	rddreg [dreg:$0x2];
	[bflag:$0x3] =	sbarrier.arrive $0xFFFF;
	s2 =	simm.s32 @!p0 $0x1C01  }
0x47: {  	[timem:s3], [sflag:s2] =	dma.local @!p0 [hbm:s0], s1  }
0x48: {  	s0 =	simm.s32 @!p0 $0x1  }
0x49: {  	_ =	swait.ge @!p0 [sflag:s0], s1  }
0x4a: {  	s1 =	ssub.s32 @!p0 $0x0, s1;
	[sflag:s0] =	ssyncset.done @!p0 $0x0  }
0x4b: {  	[sflag:s0] =	ssyncadd.s32 @!p0 s1  }
0x4c: {  	[bflag:$0x3] =	sbarrier.arrive $0xFFFF  }
0x4d: {  	_ =	shalt  }

</sc_bundles>
